<compile_context>
chip_gen: v7x
topology: tpu7x:2x2x1
jax: 0.10.2.dev20260603
libtpu: 0.0.44.dev20260713+nightly
codegen_flags: <defaults>
</compile_context>

<pallas_src>
import math

import jax
import jax.numpy as jnp
from jax.experimental import pallas as pl
from jax.experimental.pallas import tpu as pltpu

N = 100000
B = 64
F = 128
R = 16
T = 2000
SCALE = 1.0 / 0.6
INV3 = 1.0 / math.sqrt(3.0)
INVH = 1.0 / math.sqrt(float(F))


def _ssilu(v):
    return v * jax.nn.sigmoid(v) * SCALE


def _dot(a, b):
    return jax.lax.dot_general(a, b, (((1,), (0,)), ((), ())),
                               preferred_element_type=jnp.float32)


def _dott(a, b):
    return jax.lax.dot_general(a, b, (((0,), (0,)), ((), ())),
                               preferred_element_type=jnp.float32)


def _fused_kernel(x_ref, vec_ref, ef_ref, eu_ref, bt_ref, gl_ref, sel_ref,
                  wxp1_ref, bxp1_ref, wxp2_ref, bxp2_ref, wep_ref, bep_ref,
                  wsl1_ref, bsl1_ref, wsl2_ref, bsl2_ref, wvl_ref,
                  wsg1_ref, bsg1_ref, wsg2_ref, bsg2_ref, wvg_ref,
                  wvlp_ref, wslp1_ref, bslp1_ref, wslp2_ref, bslp2_ref,
                  wlt_ref,
                  hx_ref, hvec_ref, sl_ref, vl_ref, ld_ref,
                  seg_hx, seg_hv, cnt):
    i = pl.program_id(0)
    nsteps = pl.num_programs(0)

    @pl.when(i == 0)
    def _init():
        seg_hx[...] = jnp.zeros_like(seg_hx)
        seg_hv[...] = jnp.zeros_like(seg_hv)
        cnt[...] = jnp.zeros_like(cnt)

    xb = x_ref[...]
    h1 = _ssilu(_dot(xb, wxp1_ref[...]) + bxp1_ref[...])
    x_p = _dot(h1, wxp2_ref[...]) + bxp2_ref[...]
    edge_p = _dot(ef_ref[...], wep_ref[...]) + bep_ref[...]
    prod = x_p * edge_p * INV3
    x1 = prod[:, :F]
    x2 = prod[:, F:2 * F]
    xn = prod[:, 2 * F:] + xb

    eub = _dot(eu_ref[...], sel_ref[...])

    bt = bt_ref[...]
    onehot = (bt == jax.lax.broadcasted_iota(jnp.int32, (T, B), 1)
              ).astype(jnp.float32)
    gath = _dot(onehot, gl_ref[...])
    sl_g = gath[:, :F]

    hmid = _ssilu(_dot(xn, wsl1_ref[:F, :]) + _dot(sl_g, wsl1_ref[F:, :])
                  + bsl1_ref[...])
    hx = _ssilu(_dot(hmid, wsl2_ref[...]) + bsl2_ref[...]) + xn
    hx_ref[...] = hx
    seg_hx[...] += _dott(onehot, hx)

    vecf = vec_ref[...]
    for d in range(3):
        sl_d = slice(F * d, F * (d + 1))
        vecn_d = (x1 * vecf[:, sl_d] + x2 * eub[:, sl_d]) * INVH
        vtmp = vecn_d + gath[:, F * (d + 1):F * (d + 2)]
        hv_d = _dot(vtmp, wvl_ref[...]) + vecn_d
        hvec_ref[:, sl_d] = hv_d
        seg_hv[:, sl_d] += _dott(onehot, hv_d)

    cnt[...] += _dott(onehot, jnp.ones((T, 1), jnp.float32))

    @pl.when(i == nsteps - 1)
    def _global():
        rc = 1.0 / jnp.maximum(cnt[...], 1.0)
        gl = gl_ref[...]
        scalar_l = gl[:, :F]
        mean_x = seg_hx[...] * rc
        tg = _ssilu(_dot(mean_x, wsg1_ref[:F, :]) +
                    _dot(scalar_l, wsg1_ref[F:, :]) + bsg1_ref[...])
        slt = _ssilu(_dot(tg, wsg2_ref[...]) + bsg2_ref[...])
        sl0 = scalar_l + slt

        vl0 = []
        vh1 = []
        vnormsq = jnp.full((B, F), 1e-8, jnp.float32)
        for d in range(3):
            vl_d = gl[:, F * (d + 1):F * (d + 2)]
            mv_d = seg_hv[:, F * d:F * (d + 1)] * rc
            vl0_d = vl_d + _dot(mv_d + vl_d, wvg_ref[...])
            vh_d = _dot(vl0_d, wvlp_ref[...])
            vl0.append(vl0_d)
            vh1.append(vh_d[:, :F])
            vnormsq = vnormsq + vh_d[:, F:] * vh_d[:, F:]
        vnorm = jnp.sqrt(vnormsq)

        sh = _dot(_ssilu(_dot(sl0, wslp1_ref[:F, :]) +
                         _dot(vnorm, wslp1_ref[F:, :]) + bslp1_ref[...]),
                  wslp2_ref[...]) + bslp2_ref[...]
        sh1 = sh[:, :F]
        gate = jnp.tanh(sh[:, 2 * F:])
        sl_ref[...] = sh[:, F:2 * F] + sl0 * gate
        wlt = wlt_ref[...]
        for d in range(3):
            vlo_d = sh1 * vh1[d] + vl0[d]
            vl_ref[:, F * d:F * (d + 1)] = vlo_d
            ld_ref[:, d:d + 1] = jnp.sum(vlo_d * wlt, axis=1, keepdims=True)


def kernel(x, scalar_l, vec, vector_l, edge_feat, edge_udiff, batch,
           Wxp1, bxp1, Wxp2, bxp2, Wep, bep, Wsl1, bsl1, Wsl2, bsl2, Wvl,
           Wsg1, bsg1, Wsg2, bsg2, Wvg, Wvlp, Wslp1, bslp1, Wslp2, bslp2, Wl):
    nsteps = N // T
    gl = jnp.concatenate([scalar_l, vector_l.reshape(B, 3 * F)], axis=1)
    bt = batch.reshape(N, 1)
    vecf = vec.reshape(N, 3 * F)
    sel = jnp.repeat(jnp.eye(3, dtype=jnp.float32), F, axis=1)

    row = lambda i: (i, 0)
    rep = lambda i: (0, 0)

    in_specs = [
            pl.BlockSpec((T, F), row),
            pl.BlockSpec((T, 3 * F), row),
            pl.BlockSpec((T, R), row),
            pl.BlockSpec((T, 3), row),
            pl.BlockSpec((T, 1), row),
            pl.BlockSpec((B, 4 * F), rep),
            pl.BlockSpec((3, 3 * F), rep),
            pl.BlockSpec((F, F), rep),
            pl.BlockSpec((1, F), rep),
            pl.BlockSpec((F, 3 * F), rep),
            pl.BlockSpec((1, 3 * F), rep),
            pl.BlockSpec((R, 3 * F), rep),
            pl.BlockSpec((1, 3 * F), rep),
            pl.BlockSpec((2 * F, F), rep),
            pl.BlockSpec((1, F), rep),
            pl.BlockSpec((F, F), rep),
            pl.BlockSpec((1, F), rep),
            pl.BlockSpec((F, F), rep),
            pl.BlockSpec((2 * F, F), rep),
            pl.BlockSpec((1, F), rep),
            pl.BlockSpec((F, F), rep),
            pl.BlockSpec((1, F), rep),
            pl.BlockSpec((F, F), rep),
            pl.BlockSpec((F, 2 * F), rep),
            pl.BlockSpec((2 * F, F), rep),
            pl.BlockSpec((1, F), rep),
            pl.BlockSpec((F, 3 * F), rep),
            pl.BlockSpec((1, 3 * F), rep),
            pl.BlockSpec((1, F), rep),
    ]
    out_specs = [
            pl.BlockSpec((T, F), row),
            pl.BlockSpec((T, 3 * F), row),
            pl.BlockSpec((B, F), rep),
            pl.BlockSpec((B, 3 * F), rep),
            pl.BlockSpec((B, 3), rep),
    ]

    hx, hvec, sl, vl, ld = pl.pallas_call(
        _fused_kernel,
        grid=(nsteps,),
        in_specs=in_specs,
        out_specs=out_specs,
        out_shape=[
            jax.ShapeDtypeStruct((N, F), jnp.float32),
            jax.ShapeDtypeStruct((N, 3 * F), jnp.float32),
            jax.ShapeDtypeStruct((B, F), jnp.float32),
            jax.ShapeDtypeStruct((B, 3 * F), jnp.float32),
            jax.ShapeDtypeStruct((B, 3), jnp.float32),
        ],
        scratch_shapes=[
            pltpu.VMEM((B, F), jnp.float32),
            pltpu.VMEM((B, 3 * F), jnp.float32),
            pltpu.VMEM((B, 1), jnp.float32),
        ],
        compiler_params=pltpu.CompilerParams(
            dimension_semantics=("arbitrary",),
        ),
    )(x, vecf, edge_feat, edge_udiff, bt, gl, sel,
      Wxp1, bxp1.reshape(1, F), Wxp2, bxp2.reshape(1, 3 * F),
      Wep, bep.reshape(1, 3 * F), Wsl1, bsl1.reshape(1, F),
      Wsl2, bsl2.reshape(1, F), Wvl, Wsg1, bsg1.reshape(1, F),
      Wsg2, bsg2.reshape(1, F), Wvg, Wvlp, Wslp1, bslp1.reshape(1, F),
      Wslp2, bslp2.reshape(1, 3 * F), Wl.reshape(1, F))

    return (hx, hvec.reshape(N, 3, F), sl, vl.reshape(B, 3, F),
            ld.reshape(B, 3, 1))

# --- scband reference (transcript-rebuilt; emitter-appended) ---
"""Pipeline reference for scband-lattice-node-40192303956690 (READ-ONLY COPY).

The authoritative reference and input builder live on the scoring server;
editing this copy changes nothing except your own understanding.
"""

import jax, jax.numpy as jnp
import numpy as np
import math

N = 100000; B = 64; F = 128; R = 16
SCALE = 1.0 / 0.6
INV3 = 1.0 / math.sqrt(3.0)
INVH = 1.0 / math.sqrt(float(F))

def ssilu(x):
    return jax.nn.silu(x) * SCALE

def seg_mean(data, ids, num):
    s = jax.ops.segment_sum(data, ids, num_segments=num)
    c = jax.ops.segment_sum(jnp.ones((data.shape[0],), data.dtype), ids, num_segments=num)
    c = jnp.maximum(c, 1.0)
    return s / c.reshape((num,) + (1,) * (data.ndim - 1))

def setup_inputs(seed: int = 0):
    key = jax.random.key(seed)
    ks = jax.random.split(key, 40)
    def p(k, shape):
        return (jax.random.normal(k, shape, jnp.float32) / math.sqrt(shape[0])).astype(jnp.float32)
    inp = {}
    inp['x'] = jax.random.normal(ks[0], (N, F), jnp.float32)
    inp['scalar_l'] = jax.random.normal(ks[1], (B, F), jnp.float32)
    inp['vec'] = jax.random.normal(ks[2], (N, 3, F), jnp.float32)
    inp['vector_l'] = jax.random.normal(ks[3], (B, 3, F), jnp.float32)
    inp['edge_feat'] = jax.random.uniform(ks[4], (N, R), jnp.float32)
    inp['edge_udiff'] = jax.random.normal(ks[5], (N, 3), jnp.float32)
    inp['batch'] = jnp.sort(jax.random.randint(ks[6], (N,), 0, B, dtype=jnp.int32))
    inp['Wxp1'] = p(ks[7], (F, F)); inp['bxp1'] = jnp.zeros((F,), jnp.float32)
    inp['Wxp2'] = p(ks[8], (F, 3 * F)); inp['bxp2'] = jnp.zeros((3 * F,), jnp.float32)
    inp['Wep'] = p(ks[9], (R, 3 * F)); inp['bep'] = jnp.zeros((3 * F,), jnp.float32)
    inp['Wsl1'] = p(ks[10], (2 * F, F)); inp['bsl1'] = jnp.zeros((F,), jnp.float32)
    inp['Wsl2'] = p(ks[11], (F, F)); inp['bsl2'] = jnp.zeros((F,), jnp.float32)
    inp['Wvl'] = p(ks[12], (F, F))
    inp['Wsg1'] = p(ks[13], (2 * F, F)); inp['bsg1'] = jnp.zeros((F,), jnp.float32)
    inp['Wsg2'] = p(ks[14], (F, F)); inp['bsg2'] = jnp.zeros((F,), jnp.float32)
    inp['Wvg'] = p(ks[15], (F, F))
    inp['Wvlp'] = p(ks[16], (F, 2 * F))
    inp['Wslp1'] = p(ks[17], (2 * F, F)); inp['bslp1'] = jnp.zeros((F,), jnp.float32)
    inp['Wslp2'] = p(ks[18], (F, 3 * F)); inp['bslp2'] = jnp.zeros((3 * F,), jnp.float32)
    inp['Wl'] = p(ks[19], (F, 1))
    return inp

def _forward(batch, x, scalar_l, vec, vector_l, edge_feat, edge_udiff, Wxp1, bxp1, Wxp2, bxp2, Wep, bep, Wsl1, bsl1, Wsl2, bsl2, Wvl, Wsg1, bsg1, Wsg2, bsg2, Wvg, Wvlp, Wslp1, bslp1, Wslp2, bslp2, Wl):
    # update_local_emb
    x_p = ssilu(x @ Wxp1 + bxp1) @ Wxp2 + bxp2
    edge_p = edge_feat @ Wep + bep
    prod = x_p * edge_p * INV3
    x1 = prod[:, :F]; x2 = prod[:, F:2 * F]; x3 = prod[:, 2 * F:]
    xn = x3 + x
    vecn = (x1[:, None, :] * vec + x2[:, None, :] * edge_udiff[:, :, None]) * INVH
    hx = ssilu(ssilu(jnp.concatenate([xn, scalar_l[batch]], axis=1) @ Wsl1 + bsl1) @ Wsl2 + bsl2) + xn
    hvec = (vecn + vector_l[batch]) @ Wvl + vecn
    # update_global_emb
    mean_x = seg_mean(hx, batch, B)
    scalar_l_temp = ssilu(ssilu(jnp.concatenate([mean_x, scalar_l], axis=-1) @ Wsg1 + bsg1) @ Wsg2 + bsg2)
    mean_vec = seg_mean(hvec, batch, B)
    vector_l_temp = (mean_vec + vector_l) @ Wvg
    sl = scalar_l + scalar_l_temp
    vl = vector_l + vector_l_temp
    vh = vl @ Wvlp
    vh1 = vh[..., :F]; vh2 = vh[..., F:]
    vnorm = jnp.sqrt(jnp.sum(vh2 ** 2, axis=-2) + 1e-08)
    sh = ssilu(jnp.concatenate([sl, vnorm], axis=-1) @ Wslp1 + bslp1) @ Wslp2 + bslp2
    sh1 = sh[:, :F]; sh2 = sh[:, F:2 * F]; sh3 = sh[:, 2 * F:]
    gate = jnp.tanh(sh3)
    sl = sh2 + sl * gate
    vl = sh1[:, None, :] * vh1 + vl
    # update_lattice_vector
    l_delta = vl @ Wl
    return (hx, hvec, sl, vl, l_delta)

def reference(x, scalar_l, vec, vector_l, edge_feat, edge_udiff, batch, Wxp1, bxp1, Wxp2, bxp2, Wep, bep, Wsl1, bsl1, Wsl2, bsl2, Wvl, Wsg1, bsg1, Wsg2, bsg2, Wvg, Wvlp, Wslp1, bslp1, Wslp2, bslp2, Wl):
    return _forward(batch, x, scalar_l, vec, vector_l, edge_feat, edge_udiff, Wxp1, bxp1, Wxp2, bxp2, Wep, bep, Wsl1, bsl1, Wsl2, bsl2, Wvl, Wsg1, bsg1, Wsg2, bsg2, Wvg, Wvlp, Wslp1, bslp1, Wslp2, bslp2, Wl)

if __name__ == "__main__":
    import jax
    _d = setup_inputs()
    print(jax.jit(kernel)(*tuple(_d.values())))

</pallas_src>

<mosaic_0001>
module attributes {stable_mosaic.version = 14 : i64} {
  func.func @_fused_kernel(%arg0: i32, %arg1: memref<2000x128xf32, #tpu.memory_space<vmem>>, %arg2: memref<2000x384xf32, #tpu.memory_space<vmem>>, %arg3: memref<2000x16xf32, #tpu.memory_space<vmem>>, %arg4: memref<2000x3xf32, #tpu.memory_space<vmem>>, %arg5: memref<2000x1xi32, #tpu.memory_space<vmem>>, %arg6: memref<64x512xf32, #tpu.memory_space<vmem>>, %arg7: memref<3x384xf32, #tpu.memory_space<vmem>>, %arg8: memref<128x128xf32, #tpu.memory_space<vmem>>, %arg9: memref<1x128xf32, #tpu.memory_space<vmem>>, %arg10: memref<128x384xf32, #tpu.memory_space<vmem>>, %arg11: memref<1x384xf32, #tpu.memory_space<vmem>>, %arg12: memref<16x384xf32, #tpu.memory_space<vmem>>, %arg13: memref<1x384xf32, #tpu.memory_space<vmem>>, %arg14: memref<256x128xf32, #tpu.memory_space<vmem>>, %arg15: memref<1x128xf32, #tpu.memory_space<vmem>>, %arg16: memref<128x128xf32, #tpu.memory_space<vmem>>, %arg17: memref<1x128xf32, #tpu.memory_space<vmem>>, %arg18: memref<128x128xf32, #tpu.memory_space<vmem>>, %arg19: memref<256x128xf32, #tpu.memory_space<vmem>>, %arg20: memref<1x128xf32, #tpu.memory_space<vmem>>, %arg21: memref<128x128xf32, #tpu.memory_space<vmem>>, %arg22: memref<1x128xf32, #tpu.memory_space<vmem>>, %arg23: memref<128x128xf32, #tpu.memory_space<vmem>>, %arg24: memref<128x256xf32, #tpu.memory_space<vmem>>, %arg25: memref<256x128xf32, #tpu.memory_space<vmem>>, %arg26: memref<1x128xf32, #tpu.memory_space<vmem>>, %arg27: memref<128x384xf32, #tpu.memory_space<vmem>>, %arg28: memref<1x384xf32, #tpu.memory_space<vmem>>, %arg29: memref<1x128xf32, #tpu.memory_space<vmem>>, %arg30: memref<2000x128xf32, #tpu.memory_space<vmem>>, %arg31: memref<2000x384xf32, #tpu.memory_space<vmem>>, %arg32: memref<64x128xf32, #tpu.memory_space<vmem>>, %arg33: memref<64x384xf32, #tpu.memory_space<vmem>>, %arg34: memref<64x3xf32, #tpu.memory_space<vmem>>, %arg35: memref<64x128xf32, #tpu.memory_space<vmem>>, %arg36: memref<64x384xf32, #tpu.memory_space<vmem>>, %arg37: memref<64x1xf32, #tpu.memory_space<vmem>>) attributes {dimension_semantics = [#tpu.dimension_semantics<arbitrary>], iteration_bounds = array<i64: 50>, scalar_prefetch = 0 : i64, scratch_operands = 3 : i64, tpu.core_type = #tpu.core_type<tc>, window_params = [{transform_indices = @transform_0, window_bounds = array<i64: 2000, 128>}, {transform_indices = @transform_1, window_bounds = array<i64: 2000, 384>}, {transform_indices = @transform_2, window_bounds = array<i64: 2000, 16>}, {transform_indices = @transform_3, window_bounds = array<i64: 2000, 3>}, {transform_indices = @transform_4, window_bounds = array<i64: 2000, 1>}, {pipeline_mode = #tpu.pipeline_mode<synchronous>, transform_indices = @transform_5, window_bounds = array<i64: 64, 512>}, {pipeline_mode = #tpu.pipeline_mode<synchronous>, transform_indices = @transform_6, window_bounds = array<i64: 3, 384>}, {pipeline_mode = #tpu.pipeline_mode<synchronous>, transform_indices = @transform_7, window_bounds = array<i64: 128, 128>}, {pipeline_mode = #tpu.pipeline_mode<synchronous>, transform_indices = @transform_8, window_bounds = array<i64: 1, 128>}, {pipeline_mode = #tpu.pipeline_mode<synchronous>, transform_indices = @transform_9, window_bounds = array<i64: 128, 384>}, {pipeline_mode = #tpu.pipeline_mode<synchronous>, transform_indices = @transform_10, window_bounds = array<i64: 1, 384>}, {pipeline_mode = #tpu.pipeline_mode<synchronous>, transform_indices = @transform_11, window_bounds = array<i64: 16, 384>}, {pipeline_mode = #tpu.pipeline_mode<synchronous>, transform_indices = @transform_12, window_bounds = array<i64: 1, 384>}, {pipeline_mode = #tpu.pipeline_mode<synchronous>, transform_indices = @transform_13, window_bounds = array<i64: 256, 128>}, {pipeline_mode = #tpu.pipeline_mode<synchronous>, transform_indices = @transform_14, window_bounds = array<i64: 1, 128>}, {pipeline_mode = #tpu.pipeline_mode<synchronous>, transform_indices = @transform_15, window_bounds = array<i64: 128, 128>}, {pipeline_mode = #tpu.pipeline_mode<synchronous>, transform_indices = @transform_16, window_bounds = array<i64: 1, 128>}, {pipeline_mode = #tpu.pipeline_mode<synchronous>, transform_indices = @transform_17, window_bounds = array<i64: 128, 128>}, {pipeline_mode = #tpu.pipeline_mode<synchronous>, transform_indices = @transform_18, window_bounds = array<i64: 256, 128>}, {pipeline_mode = #tpu.pipeline_mode<synchronous>, transform_indices = @transform_19, window_bounds = array<i64: 1, 128>}, {pipeline_mode = #tpu.pipeline_mode<synchronous>, transform_indices = @transform_20, window_bounds = array<i64: 128, 128>}, {pipeline_mode = #tpu.pipeline_mode<synchronous>, transform_indices = @transform_21, window_bounds = array<i64: 1, 128>}, {pipeline_mode = #tpu.pipeline_mode<synchronous>, transform_indices = @transform_22, window_bounds = array<i64: 128, 128>}, {pipeline_mode = #tpu.pipeline_mode<synchronous>, transform_indices = @transform_23, window_bounds = array<i64: 128, 256>}, {pipeline_mode = #tpu.pipeline_mode<synchronous>, transform_indices = @transform_24, window_bounds = array<i64: 256, 128>}, {pipeline_mode = #tpu.pipeline_mode<synchronous>, transform_indices = @transform_25, window_bounds = array<i64: 1, 128>}, {pipeline_mode = #tpu.pipeline_mode<synchronous>, transform_indices = @transform_26, window_bounds = array<i64: 128, 384>}, {pipeline_mode = #tpu.pipeline_mode<synchronous>, transform_indices = @transform_27, window_bounds = array<i64: 1, 384>}, {pipeline_mode = #tpu.pipeline_mode<synchronous>, transform_indices = @transform_28, window_bounds = array<i64: 1, 128>}, {transform_indices = @transform_29, window_bounds = array<i64: 2000, 128>}, {transform_indices = @transform_30, window_bounds = array<i64: 2000, 384>}, {pipeline_mode = #tpu.pipeline_mode<synchronous>, transform_indices = @transform_31, window_bounds = array<i64: 64, 128>}, {pipeline_mode = #tpu.pipeline_mode<synchronous>, transform_indices = @transform_32, window_bounds = array<i64: 64, 384>}, {pipeline_mode = #tpu.pipeline_mode<synchronous>, transform_indices = @transform_33, window_bounds = array<i64: 64, 3>}]} {
    %eq3A = arith.constant 0 : i32
    %eq3A_0 = arith.cmpi eq, %arg0, %eq3A : i32
    %convert_element_type3A = arith.extui %eq3A_0 : i1 to i32
    %cond3A = arith.constant 0 : i32
    %cond3A_1 = arith.cmpi ne, %convert_element_type3A, %cond3A : i32
    scf.if %cond3A_1 {
      %broadcast_in_dim3A_231 = arith.constant 0.000000e+00 : f32
      %broadcast_in_dim3A_232 = vector.broadcast %broadcast_in_dim3A_231 : f32 to vector<64x128xf32>
      %swap3A_233 = arith.constant 0 : index
      %swap3A_234 = arith.constant 0 : index
      %swap3A_235 = vector.load %arg35[%swap3A_233, %swap3A_234] : memref<64x128xf32, #tpu.memory_space<vmem>>, vector<64x128xf32>
      tpu.vector_store %arg35[%swap3A_233, %swap3A_234], %broadcast_in_dim3A_232 {strides = array<i32>} : memref<64x128xf32, #tpu.memory_space<vmem>>, vector<64x128xf32>,
      %broadcast_in_dim3A_236 = arith.constant 0.000000e+00 : f32
      %broadcast_in_dim3A_237 = vector.broadcast %broadcast_in_dim3A_236 : f32 to vector<64x384xf32>
      %swap3A_238 = arith.constant 0 : index
      %swap3A_239 = arith.constant 0 : index
      %swap3A_240 = vector.load %arg36[%swap3A_238, %swap3A_239] : memref<64x384xf32, #tpu.memory_space<vmem>>, vector<64x384xf32>
      tpu.vector_store %arg36[%swap3A_238, %swap3A_239], %broadcast_in_dim3A_237 {strides = array<i32>} : memref<64x384xf32, #tpu.memory_space<vmem>>, vector<64x384xf32>,
      %broadcast_in_dim3A_241 = arith.constant 0.000000e+00 : f32
      %broadcast_in_dim3A_242 = vector.broadcast %broadcast_in_dim3A_241 : f32 to vector<64x1xf32>
      %swap3A_243 = arith.constant 0 : index
      %swap3A_244 = arith.constant 0 : index
      %swap3A_245 = vector.load %arg37[%swap3A_243, %swap3A_244] : memref<64x1xf32, #tpu.memory_space<vmem>>, vector<64x1xf32>
      tpu.vector_store %arg37[%swap3A_243, %swap3A_244], %broadcast_in_dim3A_242 {strides = array<i32>} : memref<64x1xf32, #tpu.memory_space<vmem>>, vector<64x1xf32>,
    } else {
    }
    %get3A = arith.constant 0 : index
    %get3A_2 = arith.constant 0 : index
    %get3A_3 = vector.load %arg1[%get3A, %get3A_2] : memref<2000x128xf32, #tpu.memory_space<vmem>>, vector<2000x128xf32>
    %get3A_4 = arith.constant 0 : index
    %get3A_5 = arith.constant 0 : index
    %get3A_6 = vector.load %arg8[%get3A_4, %get3A_5] : memref<128x128xf32, #tpu.memory_space<vmem>>, vector<128x128xf32>
    %dot_general3A = arith.constant dense<0.000000e+00> : vector<2000x128xf32>
    %dot_general3A_7 = tpu.matmul %get3A_3, %get3A_6, %dot_general3A {dimension_numbers = #tpu.dot_dimension_numbers<[1], [0], [0], [1], [0, 0, 1, 1], [], []>, transpose_lhs_hint = false} : vector<2000x128xf32>, vector<128x128xf32>, vector<2000x128xf32> -> vector<2000x128xf32>
    %get3A_8 = arith.constant 0 : index
    %get3A_9 = arith.constant 0 : index
    %get3A_10 = vector.load %arg9[%get3A_8, %get3A_9] : memref<1x128xf32, #tpu.memory_space<vmem>>, vector<1x128xf32>
    %add3A = vector.broadcast %get3A_10 : vector<1x128xf32> to vector<2000x128xf32>
    %add3A_11 = arith.addf %dot_general3A_7, %add3A : vector<2000x128xf32>
    %logistic3A = arith.negf %add3A_11 : vector<2000x128xf32>
    %logistic3A_12 = math.exp %logistic3A : vector<2000x128xf32>
    %logistic3A_13 = arith.constant 1.000000e+00 : f32
    %logistic3A_14 = vector.broadcast %logistic3A_13 : f32 to vector<2000x128xf32>
    %logistic3A_15 = arith.addf %logistic3A_14, %logistic3A_12 : vector<2000x128xf32>
    %logistic3A_16 = arith.divf %logistic3A_14, %logistic3A_15 : vector<2000x128xf32>
    %mul3A = arith.mulf %add3A_11, %logistic3A_16 : vector<2000x128xf32>
    %mul3A_17 = arith.constant 1.66666663 : f32
    %mul3A_18 = vector.broadcast %mul3A_17 : f32 to vector<2000x128xf32>
    %mul3A_19 = arith.mulf %mul3A, %mul3A_18 : vector<2000x128xf32>
    %get3A_20 = arith.constant 0 : index
    %get3A_21 = arith.constant 0 : index
    %get3A_22 = vector.load %arg10[%get3A_20, %get3A_21] : memref<128x384xf32, #tpu.memory_space<vmem>>, vector<128x384xf32>
    %dot_general3A_23 = arith.constant dense<0.000000e+00> : vector<2000x384xf32>
    %dot_general3A_24 = tpu.matmul %mul3A_19, %get3A_22, %dot_general3A_23 {dimension_numbers = #tpu.dot_dimension_numbers<[1], [0], [0], [1], [0, 0, 1, 1], [], []>, transpose_lhs_hint = false} : vector<2000x128xf32>, vector<128x384xf32>, vector<2000x384xf32> -> vector<2000x384xf32>
    %get3A_25 = arith.constant 0 : index
    %get3A_26 = arith.constant 0 : index
    %get3A_27 = vector.load %arg11[%get3A_25, %get3A_26] : memref<1x384xf32, #tpu.memory_space<vmem>>, vector<1x384xf32>
    %add3A_28 = vector.broadcast %get3A_27 : vector<1x384xf32> to vector<2000x384xf32>
    %add3A_29 = arith.addf %dot_general3A_24, %add3A_28 : vector<2000x384xf32>
    %get3A_30 = arith.constant 0 : index
    %get3A_31 = arith.constant 0 : index
    %get3A_32 = vector.load %arg3[%get3A_30, %get3A_31] : memref<2000x16xf32, #tpu.memory_space<vmem>>, vector<2000x16xf32>
    %get3A_33 = arith.constant 0 : index
    %get3A_34 = arith.constant 0 : index
    %get3A_35 = vector.load %arg12[%get3A_33, %get3A_34] : memref<16x384xf32, #tpu.memory_space<vmem>>, vector<16x384xf32>
    %dot_general3A_36 = arith.constant dense<0.000000e+00> : vector<2000x384xf32>
    %dot_general3A_37 = tpu.matmul %get3A_32, %get3A_35, %dot_general3A_36 {dimension_numbers = #tpu.dot_dimension_numbers<[1], [0], [0], [1], [0, 0, 1, 1], [], []>, transpose_lhs_hint = false} : vector<2000x16xf32>, vector<16x384xf32>, vector<2000x384xf32> -> vector<2000x384xf32>
    %get3A_38 = arith.constant 0 : index
    %get3A_39 = arith.constant 0 : index
    %get3A_40 = vector.load %arg13[%get3A_38, %get3A_39] : memref<1x384xf32, #tpu.memory_space<vmem>>, vector<1x384xf32>
    %add3A_41 = vector.broadcast %get3A_40 : vector<1x384xf32> to vector<2000x384xf32>
    %add3A_42 = arith.addf %dot_general3A_37, %add3A_41 : vector<2000x384xf32>
    %mul3A_43 = arith.mulf %add3A_29, %add3A_42 : vector<2000x384xf32>
    %mul3A_44 = arith.constant 0.577350259 : f32
    %mul3A_45 = vector.broadcast %mul3A_44 : f32 to vector<2000x384xf32>
    %mul3A_46 = arith.mulf %mul3A_43, %mul3A_45 : vector<2000x384xf32>
    %slice3A = vector.extract_strided_slice %mul3A_46 {offsets = [0, 0], sizes = [2000, 128], strides = [1, 1]} : vector<2000x384xf32> to vector<2000x128xf32>
    %slice3A_47 = vector.extract_strided_slice %mul3A_46 {offsets = [0, 128], sizes = [2000, 128], strides = [1, 1]} : vector<2000x384xf32> to vector<2000x128xf32>
    %slice3A_48 = vector.extract_strided_slice %mul3A_46 {offsets = [0, 256], sizes = [2000, 128], strides = [1, 1]} : vector<2000x384xf32> to vector<2000x128xf32>
    %add3A_49 = arith.addf %slice3A_48, %get3A_3 : vector<2000x128xf32>
    %get3A_50 = arith.constant 0 : index
    %get3A_51 = arith.constant 0 : index
    %get3A_52 = vector.load %arg4[%get3A_50, %get3A_51] : memref<2000x3xf32, #tpu.memory_space<vmem>>, vector<2000x3xf32>
    %get3A_53 = arith.constant 0 : index
    %get3A_54 = arith.constant 0 : index
    %get3A_55 = vector.load %arg7[%get3A_53, %get3A_54] : memref<3x384xf32, #tpu.memory_space<vmem>>, vector<3x384xf32>
    %dot_general3A_56 = arith.constant dense<0.000000e+00> : vector<2000x384xf32>
    %dot_general3A_57 = tpu.matmul %get3A_52, %get3A_55, %dot_general3A_56 {dimension_numbers = #tpu.dot_dimension_numbers<[1], [0], [0], [1], [0, 0, 1, 1], [], []>, transpose_lhs_hint = false} : vector<2000x3xf32>, vector<3x384xf32>, vector<2000x384xf32> -> vector<2000x384xf32>
    %get3A_58 = arith.constant 0 : index
    %get3A_59 = arith.constant 0 : index
    %get3A_60 = vector.load %arg5[%get3A_58, %get3A_59] : memref<2000x1xi32, #tpu.memory_space<vmem>>, vector<2000x1xi32>
    %iota3A = tpu.iota {dimensions = array<i32: 1>} : vector<2000x64xi32>
    %eq3A_61 = vector.broadcast %get3A_60 : vector<2000x1xi32> to vector<2000x64xi32>
    %eq3A_62 = arith.cmpi eq, %eq3A_61, %iota3A : vector<2000x64xi32>
    %convert_element_type3A_63 = arith.extui %eq3A_62 : vector<2000x64xi1> to vector<2000x64xi32>
    %convert_element_type3A_64 = arith.sitofp %convert_element_type3A_63 : vector<2000x64xi32> to vector<2000x64xf32>
    %get3A_65 = arith.constant 0 : index
    %get3A_66 = arith.constant 0 : index
    %get3A_67 = vector.load %arg6[%get3A_65, %get3A_66] : memref<64x512xf32, #tpu.memory_space<vmem>>, vector<64x512xf32>
    %dot_general3A_68 = arith.constant dense<0.000000e+00> : vector<2000x512xf32>
    %dot_general3A_69 = tpu.matmul %convert_element_type3A_64, %get3A_67, %dot_general3A_68 {dimension_numbers = #tpu.dot_dimension_numbers<[1], [0], [0], [1], [0, 0, 1, 1], [], []>, transpose_lhs_hint = false} : vector<2000x64xf32>, vector<64x512xf32>, vector<2000x512xf32> -> vector<2000x512xf32>
    %slice3A_70 = vector.extract_strided_slice %dot_general3A_69 {offsets = [0, 0], sizes = [2000, 128], strides = [1, 1]} : vector<2000x512xf32> to vector<2000x128xf32>
    %get3A_71 = arith.constant 0 : index
    %get3A_72 = arith.constant 0 : index
    %get3A_73 = vector.load %arg14[%get3A_71, %get3A_72] : memref<256x128xf32, #tpu.memory_space<vmem>>, vector<128x128xf32>
    %dot_general3A_74 = arith.constant dense<0.000000e+00> : vector<2000x128xf32>
    %dot_general3A_75 = tpu.matmul %add3A_49, %get3A_73, %dot_general3A_74 {dimension_numbers = #tpu.dot_dimension_numbers<[1], [0], [0], [1], [0, 0, 1, 1], [], []>, transpose_lhs_hint = false} : vector<2000x128xf32>, vector<128x128xf32>, vector<2000x128xf32> -> vector<2000x128xf32>
    %get3A_76 = arith.constant 128 : index
    %get3A_77 = arith.constant 0 : index
    %get3A_78 = vector.load %arg14[%get3A_76, %get3A_77] : memref<256x128xf32, #tpu.memory_space<vmem>>, vector<128x128xf32>
    %dot_general3A_79 = arith.constant dense<0.000000e+00> : vector<2000x128xf32>
    %dot_general3A_80 = tpu.matmul %slice3A_70, %get3A_78, %dot_general3A_79 {dimension_numbers = #tpu.dot_dimension_numbers<[1], [0], [0], [1], [0, 0, 1, 1], [], []>, transpose_lhs_hint = false} : vector<2000x128xf32>, vector<128x128xf32>, vector<2000x128xf32> -> vector<2000x128xf32>
    %add3A_81 = arith.addf %dot_general3A_75, %dot_general3A_80 : vector<2000x128xf32>
    %get3A_82 = arith.constant 0 : index
    %get3A_83 = arith.constant 0 : index
    %get3A_84 = vector.load %arg15[%get3A_82, %get3A_83] : memref<1x128xf32, #tpu.memory_space<vmem>>, vector<1x128xf32>
    %add3A_85 = vector.broadcast %get3A_84 : vector<1x128xf32> to vector<2000x128xf32>
    %add3A_86 = arith.addf %add3A_81, %add3A_85 : vector<2000x128xf32>
    %logistic3A_87 = arith.negf %add3A_86 : vector<2000x128xf32>
    %logistic3A_88 = math.exp %logistic3A_87 : vector<2000x128xf32>
    %logistic3A_89 = arith.constant 1.000000e+00 : f32
    %logistic3A_90 = vector.broadcast %logistic3A_89 : f32 to vector<2000x128xf32>
    %logistic3A_91 = arith.addf %logistic3A_90, %logistic3A_88 : vector<2000x128xf32>
    %logistic3A_92 = arith.divf %logistic3A_90, %logistic3A_91 : vector<2000x128xf32>
    %mul3A_93 = arith.mulf %add3A_86, %logistic3A_92 : vector<2000x128xf32>
    %mul3A_94 = arith.constant 1.66666663 : f32
    %mul3A_95 = vector.broadcast %mul3A_94 : f32 to vector<2000x128xf32>
    %mul3A_96 = arith.mulf %mul3A_93, %mul3A_95 : vector<2000x128xf32>
    %get3A_97 = arith.constant 0 : index
    %get3A_98 = arith.constant 0 : index
    %get3A_99 = vector.load %arg16[%get3A_97, %get3A_98] : memref<128x128xf32, #tpu.memory_space<vmem>>, vector<128x128xf32>
    %dot_general3A_100 = arith.constant dense<0.000000e+00> : vector<2000x128xf32>
    %dot_general3A_101 = tpu.matmul %mul3A_96, %get3A_99, %dot_general3A_100 {dimension_numbers = #tpu.dot_dimension_numbers<[1], [0], [0], [1], [0, 0, 1, 1], [], []>, transpose_lhs_hint = false} : vector<2000x128xf32>, vector<128x128xf32>, vector<2000x128xf32> -> vector<2000x128xf32>
    %get3A_102 = arith.constant 0 : index
    %get3A_103 = arith.constant 0 : index
    %get3A_104 = vector.load %arg17[%get3A_102, %get3A_103] : memref<1x128xf32, #tpu.memory_space<vmem>>, vector<1x128xf32>
    %add3A_105 = vector.broadcast %get3A_104 : vector<1x128xf32> to vector<2000x128xf32>
    %add3A_106 = arith.addf %dot_general3A_101, %add3A_105 : vector<2000x128xf32>
    %logistic3A_107 = arith.negf %add3A_106 : vector<2000x128xf32>
    %logistic3A_108 = math.exp %logistic3A_107 : vector<2000x128xf32>
    %logistic3A_109 = arith.constant 1.000000e+00 : f32
    %logistic3A_110 = vector.broadcast %logistic3A_109 : f32 to vector<2000x128xf32>
    %logistic3A_111 = arith.addf %logistic3A_110, %logistic3A_108 : vector<2000x128xf32>
    %logistic3A_112 = arith.divf %logistic3A_110, %logistic3A_111 : vector<2000x128xf32>
    %mul3A_113 = arith.mulf %add3A_106, %logistic3A_112 : vector<2000x128xf32>
    %mul3A_114 = arith.constant 1.66666663 : f32
    %mul3A_115 = vector.broadcast %mul3A_114 : f32 to vector<2000x128xf32>
    %mul3A_116 = arith.mulf %mul3A_113, %mul3A_115 : vector<2000x128xf32>
    %add3A_117 = arith.addf %mul3A_116, %add3A_49 : vector<2000x128xf32>
    %swap3A = arith.constant 0 : index
    %swap3A_118 = arith.constant 0 : index
    %swap3A_119 = vector.load %arg30[%swap3A, %swap3A_118] : memref<2000x128xf32, #tpu.memory_space<vmem>>, vector<2000x128xf32>
    tpu.vector_store %arg30[%swap3A, %swap3A_118], %add3A_117 {strides = array<i32>} : memref<2000x128xf32, #tpu.memory_space<vmem>>, vector<2000x128xf32>,
    %get3A_120 = arith.constant 0 : index
    %get3A_121 = arith.constant 0 : index
    %get3A_122 = vector.load %arg35[%get3A_120, %get3A_121] : memref<64x128xf32, #tpu.memory_space<vmem>>, vector<64x128xf32>
    %dot_general3A_123 = arith.constant dense<0.000000e+00> : vector<64x128xf32>
    %dot_general3A_124 = tpu.matmul %convert_element_type3A_64, %add3A_117, %dot_general3A_123 {dimension_numbers = #tpu.dot_dimension_numbers<[0], [0], [1], [1], [0, 1, 1, 1], [], []>, transpose_lhs_hint = false} : vector<2000x64xf32>, vector<2000x128xf32>, vector<64x128xf32> -> vector<64x128xf32>
    %add3A_125 = arith.addf %get3A_122, %dot_general3A_124 : vector<64x128xf32>
    %swap3A_126 = arith.constant 0 : index
    %swap3A_127 = arith.constant 0 : index
    %swap3A_128 = vector.load %arg35[%swap3A_126, %swap3A_127] : memref<64x128xf32, #tpu.memory_space<vmem>>, vector<64x128xf32>
    tpu.vector_store %arg35[%swap3A_126, %swap3A_127], %add3A_125 {strides = array<i32>} : memref<64x128xf32, #tpu.memory_space<vmem>>, vector<64x128xf32>,
    %get3A_129 = arith.constant 0 : index
    %get3A_130 = arith.constant 0 : index
    %get3A_131 = vector.load %arg2[%get3A_129, %get3A_130] : memref<2000x384xf32, #tpu.memory_space<vmem>>, vector<2000x384xf32>
    %slice3A_132 = vector.extract_strided_slice %get3A_131 {offsets = [0, 0], sizes = [2000, 128], strides = [1, 1]} : vector<2000x384xf32> to vector<2000x128xf32>
    %mul3A_133 = arith.mulf %slice3A, %slice3A_132 : vector<2000x128xf32>
    %slice3A_134 = vector.extract_strided_slice %dot_general3A_57 {offsets = [0, 0], sizes = [2000, 128], strides = [1, 1]} : vector<2000x384xf32> to vector<2000x128xf32>
    %mul3A_135 = arith.mulf %slice3A_47, %slice3A_134 : vector<2000x128xf32>
    %add3A_136 = arith.addf %mul3A_133, %mul3A_135 : vector<2000x128xf32>
    %mul3A_137 = arith.constant 0.0883883461 : f32
    %mul3A_138 = vector.broadcast %mul3A_137 : f32 to vector<2000x128xf32>
    %mul3A_139 = arith.mulf %add3A_136, %mul3A_138 : vector<2000x128xf32>
    %slice3A_140 = vector.extract_strided_slice %dot_general3A_69 {offsets = [0, 128], sizes = [2000, 128], strides = [1, 1]} : vector<2000x512xf32> to vector<2000x128xf32>
    %add3A_141 = arith.addf %mul3A_139, %slice3A_140 : vector<2000x128xf32>
    %get3A_142 = arith.constant 0 : index
    %get3A_143 = arith.constant 0 : index
    %get3A_144 = vector.load %arg18[%get3A_142, %get3A_143] : memref<128x128xf32, #tpu.memory_space<vmem>>, vector<128x128xf32>
    %dot_general3A_145 = arith.constant dense<0.000000e+00> : vector<2000x128xf32>
    %dot_general3A_146 = tpu.matmul %add3A_141, %get3A_144, %dot_general3A_145 {dimension_numbers = #tpu.dot_dimension_numbers<[1], [0], [0], [1], [0, 0, 1, 1], [], []>, transpose_lhs_hint = false} : vector<2000x128xf32>, vector<128x128xf32>, vector<2000x128xf32> -> vector<2000x128xf32>
    %add3A_147 = arith.addf %dot_general3A_146, %mul3A_139 : vector<2000x128xf32>
    %swap3A_148 = arith.constant 0 : index
    %swap3A_149 = arith.constant 0 : index
    %swap3A_150 = vector.load %arg31[%swap3A_148, %swap3A_149] : memref<2000x384xf32, #tpu.memory_space<vmem>>, vector<2000x128xf32>
    tpu.vector_store %arg31[%swap3A_148, %swap3A_149], %add3A_147 {strides = array<i32>} : memref<2000x384xf32, #tpu.memory_space<vmem>>, vector<2000x128xf32>,
    %get3A_151 = arith.constant 0 : index
    %get3A_152 = arith.constant 0 : index
    %get3A_153 = vector.load %arg36[%get3A_151, %get3A_152] : memref<64x384xf32, #tpu.memory_space<vmem>>, vector<64x128xf32>
    %dot_general3A_154 = arith.constant dense<0.000000e+00> : vector<64x128xf32>
    %dot_general3A_155 = tpu.matmul %convert_element_type3A_64, %add3A_147, %dot_general3A_154 {dimension_numbers = #tpu.dot_dimension_numbers<[0], [0], [1], [1], [0, 1, 1, 1], [], []>, transpose_lhs_hint = false} : vector<2000x64xf32>, vector<2000x128xf32>, vector<64x128xf32> -> vector<64x128xf32>
    %add3A_156 = arith.addf %get3A_153, %dot_general3A_155 : vector<64x128xf32>
    %swap3A_157 = arith.constant 0 : index
    %swap3A_158 = arith.constant 0 : index
    %swap3A_159 = vector.load %arg36[%swap3A_157, %swap3A_158] : memref<64x384xf32, #tpu.memory_space<vmem>>, vector<64x128xf32>
    tpu.vector_store %arg36[%swap3A_157, %swap3A_158], %add3A_156 {strides = array<i32>} : memref<64x384xf32, #tpu.memory_space<vmem>>, vector<64x128xf32>,
    %slice3A_160 = vector.extract_strided_slice %get3A_131 {offsets = [0, 128], sizes = [2000, 128], strides = [1, 1]} : vector<2000x384xf32> to vector<2000x128xf32>
    %mul3A_161 = arith.mulf %slice3A, %slice3A_160 : vector<2000x128xf32>
    %slice3A_162 = vector.extract_strided_slice %dot_general3A_57 {offsets = [0, 128], sizes = [2000, 128], strides = [1, 1]} : vector<2000x384xf32> to vector<2000x128xf32>
    %mul3A_163 = arith.mulf %slice3A_47, %slice3A_162 : vector<2000x128xf32>
    %add3A_164 = arith.addf %mul3A_161, %mul3A_163 : vector<2000x128xf32>
    %mul3A_165 = arith.constant 0.0883883461 : f32
    %mul3A_166 = vector.broadcast %mul3A_165 : f32 to vector<2000x128xf32>
    %mul3A_167 = arith.mulf %add3A_164, %mul3A_166 : vector<2000x128xf32>
    %slice3A_168 = vector.extract_strided_slice %dot_general3A_69 {offsets = [0, 256], sizes = [2000, 128], strides = [1, 1]} : vector<2000x512xf32> to vector<2000x128xf32>
    %add3A_169 = arith.addf %mul3A_167, %slice3A_168 : vector<2000x128xf32>
    %get3A_170 = arith.constant 0 : index
    %get3A_171 = arith.constant 0 : index
    %get3A_172 = vector.load %arg18[%get3A_170, %get3A_171] : memref<128x128xf32, #tpu.memory_space<vmem>>, vector<128x128xf32>
    %dot_general3A_173 = arith.constant dense<0.000000e+00> : vector<2000x128xf32>
    %dot_general3A_174 = tpu.matmul %add3A_169, %get3A_172, %dot_general3A_173 {dimension_numbers = #tpu.dot_dimension_numbers<[1], [0], [0], [1], [0, 0, 1, 1], [], []>, transpose_lhs_hint = false} : vector<2000x128xf32>, vector<128x128xf32>, vector<2000x128xf32> -> vector<2000x128xf32>
    %add3A_175 = arith.addf %dot_general3A_174, %mul3A_167 : vector<2000x128xf32>
    %swap3A_176 = arith.constant 0 : index
    %swap3A_177 = arith.constant 128 : index
    %swap3A_178 = vector.load %arg31[%swap3A_176, %swap3A_177] : memref<2000x384xf32, #tpu.memory_space<vmem>>, vector<2000x128xf32>
    tpu.vector_store %arg31[%swap3A_176, %swap3A_177], %add3A_175 {strides = array<i32>} : memref<2000x384xf32, #tpu.memory_space<vmem>>, vector<2000x128xf32>,
    %get3A_179 = arith.constant 0 : index
    %get3A_180 = arith.constant 128 : index
    %get3A_181 = vector.load %arg36[%get3A_179, %get3A_180] : memref<64x384xf32, #tpu.memory_space<vmem>>, vector<64x128xf32>
    %dot_general3A_182 = arith.constant dense<0.000000e+00> : vector<64x128xf32>
    %dot_general3A_183 = tpu.matmul %convert_element_type3A_64, %add3A_175, %dot_general3A_182 {dimension_numbers = #tpu.dot_dimension_numbers<[0], [0], [1], [1], [0, 1, 1, 1], [], []>, transpose_lhs_hint = false} : vector<2000x64xf32>, vector<2000x128xf32>, vector<64x128xf32> -> vector<64x128xf32>
    %add3A_184 = arith.addf %get3A_181, %dot_general3A_183 : vector<64x128xf32>
    %swap3A_185 = arith.constant 0 : index
    %swap3A_186 = arith.constant 128 : index
    %swap3A_187 = vector.load %arg36[%swap3A_185, %swap3A_186] : memref<64x384xf32, #tpu.memory_space<vmem>>, vector<64x128xf32>
    tpu.vector_store %arg36[%swap3A_185, %swap3A_186], %add3A_184 {strides = array<i32>} : memref<64x384xf32, #tpu.memory_space<vmem>>, vector<64x128xf32>,
    %slice3A_188 = vector.extract_strided_slice %get3A_131 {offsets = [0, 256], sizes = [2000, 128], strides = [1, 1]} : vector<2000x384xf32> to vector<2000x128xf32>
    %mul3A_189 = arith.mulf %slice3A, %slice3A_188 : vector<2000x128xf32>
    %slice3A_190 = vector.extract_strided_slice %dot_general3A_57 {offsets = [0, 256], sizes = [2000, 128], strides = [1, 1]} : vector<2000x384xf32> to vector<2000x128xf32>
    %mul3A_191 = arith.mulf %slice3A_47, %slice3A_190 : vector<2000x128xf32>
    %add3A_192 = arith.addf %mul3A_189, %mul3A_191 : vector<2000x128xf32>
    %mul3A_193 = arith.constant 0.0883883461 : f32
    %mul3A_194 = vector.broadcast %mul3A_193 : f32 to vector<2000x128xf32>
    %mul3A_195 = arith.mulf %add3A_192, %mul3A_194 : vector<2000x128xf32>
    %slice3A_196 = vector.extract_strided_slice %dot_general3A_69 {offsets = [0, 384], sizes = [2000, 128], strides = [1, 1]} : vector<2000x512xf32> to vector<2000x128xf32>
    %add3A_197 = arith.addf %mul3A_195, %slice3A_196 : vector<2000x128xf32>
    %get3A_198 = arith.constant 0 : index
    %get3A_199 = arith.constant 0 : index
    %get3A_200 = vector.load %arg18[%get3A_198, %get3A_199] : memref<128x128xf32, #tpu.memory_space<vmem>>, vector<128x128xf32>
    %dot_general3A_201 = arith.constant dense<0.000000e+00> : vector<2000x128xf32>
    %dot_general3A_202 = tpu.matmul %add3A_197, %get3A_200, %dot_general3A_201 {dimension_numbers = #tpu.dot_dimension_numbers<[1], [0], [0], [1], [0, 0, 1, 1], [], []>, transpose_lhs_hint = false} : vector<2000x128xf32>, vector<128x128xf32>, vector<2000x128xf32> -> vector<2000x128xf32>
    %add3A_203 = arith.addf %dot_general3A_202, %mul3A_195 : vector<2000x128xf32>
    %swap3A_204 = arith.constant 0 : index
    %swap3A_205 = arith.constant 256 : index
    %swap3A_206 = vector.load %arg31[%swap3A_204, %swap3A_205] : memref<2000x384xf32, #tpu.memory_space<vmem>>, vector<2000x128xf32>
    tpu.vector_store %arg31[%swap3A_204, %swap3A_205], %add3A_203 {strides = array<i32>} : memref<2000x384xf32, #tpu.memory_space<vmem>>, vector<2000x128xf32>,
    %get3A_207 = arith.constant 0 : index
    %get3A_208 = arith.constant 256 : index
    %get3A_209 = vector.load %arg36[%get3A_207, %get3A_208] : memref<64x384xf32, #tpu.memory_space<vmem>>, vector<64x128xf32>
    %dot_general3A_210 = arith.constant dense<0.000000e+00> : vector<64x128xf32>
    %dot_general3A_211 = tpu.matmul %convert_element_type3A_64, %add3A_203, %dot_general3A_210 {dimension_numbers = #tpu.dot_dimension_numbers<[0], [0], [1], [1], [0, 1, 1, 1], [], []>, transpose_lhs_hint = false} : vector<2000x64xf32>, vector<2000x128xf32>, vector<64x128xf32> -> vector<64x128xf32>
    %add3A_212 = arith.addf %get3A_209, %dot_general3A_211 : vector<64x128xf32>
    %swap3A_213 = arith.constant 0 : index
    %swap3A_214 = arith.constant 256 : index
    %swap3A_215 = vector.load %arg36[%swap3A_213, %swap3A_214] : memref<64x384xf32, #tpu.memory_space<vmem>>, vector<64x128xf32>
    tpu.vector_store %arg36[%swap3A_213, %swap3A_214], %add3A_212 {strides = array<i32>} : memref<64x384xf32, #tpu.memory_space<vmem>>, vector<64x128xf32>,
    %get3A_216 = arith.constant 0 : index
    %get3A_217 = arith.constant 0 : index
    %get3A_218 = vector.load %arg37[%get3A_216, %get3A_217] : memref<64x1xf32, #tpu.memory_space<vmem>>, vector<64x1xf32>
    %broadcast_in_dim3A = arith.constant 1.000000e+00 : f32
    %broadcast_in_dim3A_219 = vector.broadcast %broadcast_in_dim3A : f32 to vector<2000x1xf32>
    %dot_general3A_220 = arith.constant dense<0.000000e+00> : vector<64x1xf32>
    %dot_general3A_221 = tpu.matmul %convert_element_type3A_64, %broadcast_in_dim3A_219, %dot_general3A_220 {dimension_numbers = #tpu.dot_dimension_numbers<[0], [0], [1], [1], [0, 1, 1, 1], [], []>, transpose_lhs_hint = false} : vector<2000x64xf32>, vector<2000x1xf32>, vector<64x1xf32> -> vector<64x1xf32>
    %add3A_222 = arith.addf %get3A_218, %dot_general3A_221 : vector<64x1xf32>
    %swap3A_223 = arith.constant 0 : index
    %swap3A_224 = arith.constant 0 : index
    %swap3A_225 = vector.load %arg37[%swap3A_223, %swap3A_224] : memref<64x1xf32, #tpu.memory_space<vmem>>, vector<64x1xf32>
    tpu.vector_store %arg37[%swap3A_223, %swap3A_224], %add3A_222 {strides = array<i32>} : memref<64x1xf32, #tpu.memory_space<vmem>>, vector<64x1xf32>,
    %eq3A_226 = arith.constant 49 : i32
    %eq3A_227 = arith.cmpi eq, %arg0, %eq3A_226 : i32
    %convert_element_type3A_228 = arith.extui %eq3A_227 : i1 to i32
    %cond3A_229 = arith.constant 0 : i32
    %cond3A_230 = arith.cmpi ne, %convert_element_type3A_228, %cond3A_229 : i32
    scf.if %cond3A_230 {
      %get3A_231 = arith.constant 0 : index
      %get3A_232 = arith.constant 0 : index
      %get3A_233 = vector.load %arg37[%get3A_231, %get3A_232] : memref<64x1xf32, #tpu.memory_space<vmem>>, vector<64x1xf32>
      %max3A = arith.constant 1.000000e+00 : f32
      %max3A_234 = vector.broadcast %max3A : f32 to vector<64x1xf32>
      %max3A_235 = arith.maximumf %get3A_233, %max3A_234 : vector<64x1xf32>
      %div3A = arith.constant 1.000000e+00 : f32
      %div3A_236 = vector.broadcast %div3A : f32 to vector<64x1xf32>
      %div3A_237 = arith.divf %div3A_236, %max3A_235 : vector<64x1xf32>
      %get3A_238 = arith.constant 0 : index
      %get3A_239 = arith.constant 0 : index
      %get3A_240 = vector.load %arg6[%get3A_238, %get3A_239] : memref<64x512xf32, #tpu.memory_space<vmem>>, vector<64x512xf32>
      %slice3A_241 = vector.extract_strided_slice %get3A_240 {offsets = [0, 0], sizes = [64, 128], strides = [1, 1]} : vector<64x512xf32> to vector<64x128xf32>
      %get3A_242 = arith.constant 0 : index
      %get3A_243 = arith.constant 0 : index
      %get3A_244 = vector.load %arg35[%get3A_242, %get3A_243] : memref<64x128xf32, #tpu.memory_space<vmem>>, vector<64x128xf32>
      %mul3A_245 = vector.broadcast %div3A_237 : vector<64x1xf32> to vector<64x128xf32>
      %mul3A_246 = arith.mulf %get3A_244, %mul3A_245 : vector<64x128xf32>
      %get3A_247 = arith.constant 0 : index
      %get3A_248 = arith.constant 0 : index
      %get3A_249 = vector.load %arg19[%get3A_247, %get3A_248] : memref<256x128xf32, #tpu.memory_space<vmem>>, vector<128x128xf32>
      %dot_general3A_250 = arith.constant dense<0.000000e+00> : vector<64x128xf32>
      %dot_general3A_251 = tpu.matmul %mul3A_246, %get3A_249, %dot_general3A_250 {dimension_numbers = #tpu.dot_dimension_numbers<[1], [0], [0], [1], [0, 0, 1, 1], [], []>, transpose_lhs_hint = false} : vector<64x128xf32>, vector<128x128xf32>, vector<64x128xf32> -> vector<64x128xf32>
      %get3A_252 = arith.constant 128 : index
      %get3A_253 = arith.constant 0 : index
      %get3A_254 = vector.load %arg19[%get3A_252, %get3A_253] : memref<256x128xf32, #tpu.memory_space<vmem>>, vector<128x128xf32>
      %dot_general3A_255 = arith.constant dense<0.000000e+00> : vector<64x128xf32>
      %dot_general3A_256 = tpu.matmul %slice3A_241, %get3A_254, %dot_general3A_255 {dimension_numbers = #tpu.dot_dimension_numbers<[1], [0], [0], [1], [0, 0, 1, 1], [], []>, transpose_lhs_hint = false} : vector<64x128xf32>, vector<128x128xf32>, vector<64x128xf32> -> vector<64x128xf32>
      %add3A_257 = arith.addf %dot_general3A_251, %dot_general3A_256 : vector<64x128xf32>
      %get3A_258 = arith.constant 0 : index
      %get3A_259 = arith.constant 0 : index
      %get3A_260 = vector.load %arg20[%get3A_258, %get3A_259] : memref<1x128xf32, #tpu.memory_space<vmem>>, vector<1x128xf32>
      %add3A_261 = vector.broadcast %get3A_260 : vector<1x128xf32> to vector<64x128xf32>
      %add3A_262 = arith.addf %add3A_257, %add3A_261 : vector<64x128xf32>
      %logistic3A_263 = arith.negf %add3A_262 : vector<64x128xf32>
      %logistic3A_264 = math.exp %logistic3A_263 : vector<64x128xf32>
      %logistic3A_265 = arith.constant 1.000000e+00 : f32
      %logistic3A_266 = vector.broadcast %logistic3A_265 : f32 to vector<64x128xf32>
      %logistic3A_267 = arith.addf %logistic3A_266, %logistic3A_264 : vector<64x128xf32>
      %logistic3A_268 = arith.divf %logistic3A_266, %logistic3A_267 : vector<64x128xf32>
      %mul3A_269 = arith.mulf %add3A_262, %logistic3A_268 : vector<64x128xf32>
      %mul3A_270 = arith.constant 1.66666663 : f32
      %mul3A_271 = vector.broadcast %mul3A_270 : f32 to vector<64x128xf32>
      %mul3A_272 = arith.mulf %mul3A_269, %mul3A_271 : vector<64x128xf32>
      %get3A_273 = arith.constant 0 : index
      %get3A_274 = arith.constant 0 : index
      %get3A_275 = vector.load %arg21[%get3A_273, %get3A_274] : memref<128x128xf32, #tpu.memory_space<vmem>>, vector<128x128xf32>
      %dot_general3A_276 = arith.constant dense<0.000000e+00> : vector<64x128xf32>
      %dot_general3A_277 = tpu.matmul %mul3A_272, %get3A_275, %dot_general3A_276 {dimension_numbers = #tpu.dot_dimension_numbers<[1], [0], [0], [1], [0, 0, 1, 1], [], []>, transpose_lhs_hint = false} : vector<64x128xf32>, vector<128x128xf32>, vector<64x128xf32> -> vector<64x128xf32>
      %get3A_278 = arith.constant 0 : index
      %get3A_279 = arith.constant 0 : index
      %get3A_280 = vector.load %arg22[%get3A_278, %get3A_279] : memref<1x128xf32, #tpu.memory_space<vmem>>, vector<1x128xf32>
      %add3A_281 = vector.broadcast %get3A_280 : vector<1x128xf32> to vector<64x128xf32>
      %add3A_282 = arith.addf %dot_general3A_277, %add3A_281 : vector<64x128xf32>
      %logistic3A_283 = arith.negf %add3A_282 : vector<64x128xf32>
      %logistic3A_284 = math.exp %logistic3A_283 : vector<64x128xf32>
      %logistic3A_285 = arith.constant 1.000000e+00 : f32
      %logistic3A_286 = vector.broadcast %logistic3A_285 : f32 to vector<64x128xf32>
      %logistic3A_287 = arith.addf %logistic3A_286, %logistic3A_284 : vector<64x128xf32>
      %logistic3A_288 = arith.divf %logistic3A_286, %logistic3A_287 : vector<64x128xf32>
      %mul3A_289 = arith.mulf %add3A_282, %logistic3A_288 : vector<64x128xf32>
      %mul3A_290 = arith.constant 1.66666663 : f32
      %mul3A_291 = vector.broadcast %mul3A_290 : f32 to vector<64x128xf32>
      %mul3A_292 = arith.mulf %mul3A_289, %mul3A_291 : vector<64x128xf32>
      %add3A_293 = arith.addf %slice3A_241, %mul3A_292 : vector<64x128xf32>
      %broadcast_in_dim3A_294 = arith.constant 9.99999993E-9 : f32
      %broadcast_in_dim3A_295 = vector.broadcast %broadcast_in_dim3A_294 : f32 to vector<64x128xf32>
      %slice3A_296 = vector.extract_strided_slice %get3A_240 {offsets = [0, 128], sizes = [64, 128], strides = [1, 1]} : vector<64x512xf32> to vector<64x128xf32>
      %get3A_297 = arith.constant 0 : index
      %get3A_298 = arith.constant 0 : index
      %get3A_299 = vector.load %arg36[%get3A_297, %get3A_298] : memref<64x384xf32, #tpu.memory_space<vmem>>, vector<64x128xf32>
      %mul3A_300 = vector.broadcast %div3A_237 : vector<64x1xf32> to vector<64x128xf32>
      %mul3A_301 = arith.mulf %get3A_299, %mul3A_300 : vector<64x128xf32>
      %add3A_302 = arith.addf %mul3A_301, %slice3A_296 : vector<64x128xf32>
      %get3A_303 = arith.constant 0 : index
      %get3A_304 = arith.constant 0 : index
      %get3A_305 = vector.load %arg23[%get3A_303, %get3A_304] : memref<128x128xf32, #tpu.memory_space<vmem>>, vector<128x128xf32>
      %dot_general3A_306 = arith.constant dense<0.000000e+00> : vector<64x128xf32>
      %dot_general3A_307 = tpu.matmul %add3A_302, %get3A_305, %dot_general3A_306 {dimension_numbers = #tpu.dot_dimension_numbers<[1], [0], [0], [1], [0, 0, 1, 1], [], []>, transpose_lhs_hint = false} : vector<64x128xf32>, vector<128x128xf32>, vector<64x128xf32> -> vector<64x128xf32>
      %add3A_308 = arith.addf %slice3A_296, %dot_general3A_307 : vector<64x128xf32>
      %get3A_309 = arith.constant 0 : index
      %get3A_310 = arith.constant 0 : index
      %get3A_311 = vector.load %arg24[%get3A_309, %get3A_310] : memref<128x256xf32, #tpu.memory_space<vmem>>, vector<128x256xf32>
      %dot_general3A_312 = arith.constant dense<0.000000e+00> : vector<64x256xf32>
      %dot_general3A_313 = tpu.matmul %add3A_308, %get3A_311, %dot_general3A_312 {dimension_numbers = #tpu.dot_dimension_numbers<[1], [0], [0], [1], [0, 0, 1, 1], [], []>, transpose_lhs_hint = false} : vector<64x128xf32>, vector<128x256xf32>, vector<64x256xf32> -> vector<64x256xf32>
      %slice3A_314 = vector.extract_strided_slice %dot_general3A_313 {offsets = [0, 0], sizes = [64, 128], strides = [1, 1]} : vector<64x256xf32> to vector<64x128xf32>
      %slice3A_315 = vector.extract_strided_slice %dot_general3A_313 {offsets = [0, 128], sizes = [64, 128], strides = [1, 1]} : vector<64x256xf32> to vector<64x128xf32>
      %slice3A_316 = vector.extract_strided_slice %dot_general3A_313 {offsets = [0, 128], sizes = [64, 128], strides = [1, 1]} : vector<64x256xf32> to vector<64x128xf32>
      %mul3A_317 = arith.mulf %slice3A_315, %slice3A_316 : vector<64x128xf32>
      %add3A_318 = arith.addf %broadcast_in_dim3A_295, %mul3A_317 : vector<64x128xf32>
      %slice3A_319 = vector.extract_strided_slice %get3A_240 {offsets = [0, 256], sizes = [64, 128], strides = [1, 1]} : vector<64x512xf32> to vector<64x128xf32>
      %get3A_320 = arith.constant 0 : index
      %get3A_321 = arith.constant 128 : index
      %get3A_322 = vector.load %arg36[%get3A_320, %get3A_321] : memref<64x384xf32, #tpu.memory_space<vmem>>, vector<64x128xf32>
      %mul3A_323 = vector.broadcast %div3A_237 : vector<64x1xf32> to vector<64x128xf32>
      %mul3A_324 = arith.mulf %get3A_322, %mul3A_323 : vector<64x128xf32>
      %add3A_325 = arith.addf %mul3A_324, %slice3A_319 : vector<64x128xf32>
      %get3A_326 = arith.constant 0 : index
      %get3A_327 = arith.constant 0 : index
      %get3A_328 = vector.load %arg23[%get3A_326, %get3A_327] : memref<128x128xf32, #tpu.memory_space<vmem>>, vector<128x128xf32>
      %dot_general3A_329 = arith.constant dense<0.000000e+00> : vector<64x128xf32>
      %dot_general3A_330 = tpu.matmul %add3A_325, %get3A_328, %dot_general3A_329 {dimension_numbers = #tpu.dot_dimension_numbers<[1], [0], [0], [1], [0, 0, 1, 1], [], []>, transpose_lhs_hint = false} : vector<64x128xf32>, vector<128x128xf32>, vector<64x128xf32> -> vector<64x128xf32>
      %add3A_331 = arith.addf %slice3A_319, %dot_general3A_330 : vector<64x128xf32>
      %get3A_332 = arith.constant 0 : index
      %get3A_333 = arith.constant 0 : index
      %get3A_334 = vector.load %arg24[%get3A_332, %get3A_333] : memref<128x256xf32, #tpu.memory_space<vmem>>, vector<128x256xf32>
      %dot_general3A_335 = arith.constant dense<0.000000e+00> : vector<64x256xf32>
      %dot_general3A_336 = tpu.matmul %add3A_331, %get3A_334, %dot_general3A_335 {dimension_numbers = #tpu.dot_dimension_numbers<[1], [0], [0], [1], [0, 0, 1, 1], [], []>, transpose_lhs_hint = false} : vector<64x128xf32>, vector<128x256xf32>, vector<64x256xf32> -> vector<64x256xf32>
      %slice3A_337 = vector.extract_strided_slice %dot_general3A_336 {offsets = [0, 0], sizes = [64, 128], strides = [1, 1]} : vector<64x256xf32> to vector<64x128xf32>
      %slice3A_338 = vector.extract_strided_slice %dot_general3A_336 {offsets = [0, 128], sizes = [64, 128], strides = [1, 1]} : vector<64x256xf32> to vector<64x128xf32>
      %slice3A_339 = vector.extract_strided_slice %dot_general3A_336 {offsets = [0, 128], sizes = [64, 128], strides = [1, 1]} : vector<64x256xf32> to vector<64x128xf32>
      %mul3A_340 = arith.mulf %slice3A_338, %slice3A_339 : vector<64x128xf32>
      %add3A_341 = arith.addf %add3A_318, %mul3A_340 : vector<64x128xf32>
      %slice3A_342 = vector.extract_strided_slice %get3A_240 {offsets = [0, 384], sizes = [64, 128], strides = [1, 1]} : vector<64x512xf32> to vector<64x128xf32>
      %get3A_343 = arith.constant 0 : index
      %get3A_344 = arith.constant 256 : index
      %get3A_345 = vector.load %arg36[%get3A_343, %get3A_344] : memref<64x384xf32, #tpu.memory_space<vmem>>, vector<64x128xf32>
      %mul3A_346 = vector.broadcast %div3A_237 : vector<64x1xf32> to vector<64x128xf32>
      %mul3A_347 = arith.mulf %get3A_345, %mul3A_346 : vector<64x128xf32>
      %add3A_348 = arith.addf %mul3A_347, %slice3A_342 : vector<64x128xf32>
      %get3A_349 = arith.constant 0 : index
      %get3A_350 = arith.constant 0 : index
      %get3A_351 = vector.load %arg23[%get3A_349, %get3A_350] : memref<128x128xf32, #tpu.memory_space<vmem>>, vector<128x128xf32>
      %dot_general3A_352 = arith.constant dense<0.000000e+00> : vector<64x128xf32>
      %dot_general3A_353 = tpu.matmul %add3A_348, %get3A_351, %dot_general3A_352 {dimension_numbers = #tpu.dot_dimension_numbers<[1], [0], [0], [1], [0, 0, 1, 1], [], []>, transpose_lhs_hint = false} : vector<64x128xf32>, vector<128x128xf32>, vector<64x128xf32> -> vector<64x128xf32>
      %add3A_354 = arith.addf %slice3A_342, %dot_general3A_353 : vector<64x128xf32>
      %get3A_355 = arith.constant 0 : index
      %get3A_356 = arith.constant 0 : index
      %get3A_357 = vector.load %arg24[%get3A_355, %get3A_356] : memref<128x256xf32, #tpu.memory_space<vmem>>, vector<128x256xf32>
      %dot_general3A_358 = arith.constant dense<0.000000e+00> : vector<64x256xf32>
      %dot_general3A_359 = tpu.matmul %add3A_354, %get3A_357, %dot_general3A_358 {dimension_numbers = #tpu.dot_dimension_numbers<[1], [0], [0], [1], [0, 0, 1, 1], [], []>, transpose_lhs_hint = false} : vector<64x128xf32>, vector<128x256xf32>, vector<64x256xf32> -> vector<64x256xf32>
      %slice3A_360 = vector.extract_strided_slice %dot_general3A_359 {offsets = [0, 0], sizes = [64, 128], strides = [1, 1]} : vector<64x256xf32> to vector<64x128xf32>
      %slice3A_361 = vector.extract_strided_slice %dot_general3A_359 {offsets = [0, 128], sizes = [64, 128], strides = [1, 1]} : vector<64x256xf32> to vector<64x128xf32>
      %slice3A_362 = vector.extract_strided_slice %dot_general3A_359 {offsets = [0, 128], sizes = [64, 128], strides = [1, 1]} : vector<64x256xf32> to vector<64x128xf32>
      %mul3A_363 = arith.mulf %slice3A_361, %slice3A_362 : vector<64x128xf32>
      %add3A_364 = arith.addf %add3A_341, %mul3A_363 : vector<64x128xf32>
      %sqrt3A = math.sqrt %add3A_364 : vector<64x128xf32>
      %get3A_365 = arith.constant 0 : index
      %get3A_366 = arith.constant 0 : index
      %get3A_367 = vector.load %arg25[%get3A_365, %get3A_366] : memref<256x128xf32, #tpu.memory_space<vmem>>, vector<128x128xf32>
      %dot_general3A_368 = arith.constant dense<0.000000e+00> : vector<64x128xf32>
      %dot_general3A_369 = tpu.matmul %add3A_293, %get3A_367, %dot_general3A_368 {dimension_numbers = #tpu.dot_dimension_numbers<[1], [0], [0], [1], [0, 0, 1, 1], [], []>, transpose_lhs_hint = false} : vector<64x128xf32>, vector<128x128xf32>, vector<64x128xf32> -> vector<64x128xf32>
      %get3A_370 = arith.constant 128 : index
      %get3A_371 = arith.constant 0 : index
      %get3A_372 = vector.load %arg25[%get3A_370, %get3A_371] : memref<256x128xf32, #tpu.memory_space<vmem>>, vector<128x128xf32>
      %dot_general3A_373 = arith.constant dense<0.000000e+00> : vector<64x128xf32>
      %dot_general3A_374 = tpu.matmul %sqrt3A, %get3A_372, %dot_general3A_373 {dimension_numbers = #tpu.dot_dimension_numbers<[1], [0], [0], [1], [0, 0, 1, 1], [], []>, transpose_lhs_hint = false} : vector<64x128xf32>, vector<128x128xf32>, vector<64x128xf32> -> vector<64x128xf32>
      %add3A_375 = arith.addf %dot_general3A_369, %dot_general3A_374 : vector<64x128xf32>
      %get3A_376 = arith.constant 0 : index
      %get3A_377 = arith.constant 0 : index
      %get3A_378 = vector.load %arg26[%get3A_376, %get3A_377] : memref<1x128xf32, #tpu.memory_space<vmem>>, vector<1x128xf32>
      %add3A_379 = vector.broadcast %get3A_378 : vector<1x128xf32> to vector<64x128xf32>
      %add3A_380 = arith.addf %add3A_375, %add3A_379 : vector<64x128xf32>
      %logistic3A_381 = arith.negf %add3A_380 : vector<64x128xf32>
      %logistic3A_382 = math.exp %logistic3A_381 : vector<64x128xf32>
      %logistic3A_383 = arith.constant 1.000000e+00 : f32
      %logistic3A_384 = vector.broadcast %logistic3A_383 : f32 to vector<64x128xf32>
      %logistic3A_385 = arith.addf %logistic3A_384, %logistic3A_382 : vector<64x128xf32>
      %logistic3A_386 = arith.divf %logistic3A_384, %logistic3A_385 : vector<64x128xf32>
      %mul3A_387 = arith.mulf %add3A_380, %logistic3A_386 : vector<64x128xf32>
      %mul3A_388 = arith.constant 1.66666663 : f32
      %mul3A_389 = vector.broadcast %mul3A_388 : f32 to vector<64x128xf32>
      %mul3A_390 = arith.mulf %mul3A_387, %mul3A_389 : vector<64x128xf32>
      %get3A_391 = arith.constant 0 : index
      %get3A_392 = arith.constant 0 : index
      %get3A_393 = vector.load %arg27[%get3A_391, %get3A_392] : memref<128x384xf32, #tpu.memory_space<vmem>>, vector<128x384xf32>
      %dot_general3A_394 = arith.constant dense<0.000000e+00> : vector<64x384xf32>
      %dot_general3A_395 = tpu.matmul %mul3A_390, %get3A_393, %dot_general3A_394 {dimension_numbers = #tpu.dot_dimension_numbers<[1], [0], [0], [1], [0, 0, 1, 1], [], []>, transpose_lhs_hint = false} : vector<64x128xf32>, vector<128x384xf32>, vector<64x384xf32> -> vector<64x384xf32>
      %get3A_396 = arith.constant 0 : index
      %get3A_397 = arith.constant 0 : index
      %get3A_398 = vector.load %arg28[%get3A_396, %get3A_397] : memref<1x384xf32, #tpu.memory_space<vmem>>, vector<1x384xf32>
      %add3A_399 = vector.broadcast %get3A_398 : vector<1x384xf32> to vector<64x384xf32>
      %add3A_400 = arith.addf %dot_general3A_395, %add3A_399 : vector<64x384xf32>
      %slice3A_401 = vector.extract_strided_slice %add3A_400 {offsets = [0, 0], sizes = [64, 128], strides = [1, 1]} : vector<64x384xf32> to vector<64x128xf32>
      %slice3A_402 = vector.extract_strided_slice %add3A_400 {offsets = [0, 256], sizes = [64, 128], strides = [1, 1]} : vector<64x384xf32> to vector<64x128xf32>
      %tanh3A = math.tanh %slice3A_402 : vector<64x128xf32>
      %slice3A_403 = vector.extract_strided_slice %add3A_400 {offsets = [0, 128], sizes = [64, 128], strides = [1, 1]} : vector<64x384xf32> to vector<64x128xf32>
      %mul3A_404 = arith.mulf %add3A_293, %tanh3A : vector<64x128xf32>
      %add3A_405 = arith.addf %slice3A_403, %mul3A_404 : vector<64x128xf32>
      %swap3A_406 = arith.constant 0 : index
      %swap3A_407 = arith.constant 0 : index
      %swap3A_408 = vector.load %arg32[%swap3A_406, %swap3A_407] : memref<64x128xf32, #tpu.memory_space<vmem>>, vector<64x128xf32>
      tpu.vector_store %arg32[%swap3A_406, %swap3A_407], %add3A_405 {strides = array<i32>} : memref<64x128xf32, #tpu.memory_space<vmem>>, vector<64x128xf32>,
      %get3A_409 = arith.constant 0 : index
      %get3A_410 = arith.constant 0 : index
      %get3A_411 = vector.load %arg29[%get3A_409, %get3A_410] : memref<1x128xf32, #tpu.memory_space<vmem>>, vector<1x128xf32>
      %mul3A_412 = arith.mulf %slice3A_401, %slice3A_314 : vector<64x128xf32>
      %add3A_413 = arith.addf %mul3A_412, %add3A_308 : vector<64x128xf32>
      %swap3A_414 = arith.constant 0 : index
      %swap3A_415 = arith.constant 0 : index
      %swap3A_416 = vector.load %arg33[%swap3A_414, %swap3A_415] : memref<64x384xf32, #tpu.memory_space<vmem>>, vector<64x128xf32>
      tpu.vector_store %arg33[%swap3A_414, %swap3A_415], %add3A_413 {strides = array<i32>} : memref<64x384xf32, #tpu.memory_space<vmem>>, vector<64x128xf32>,
      %mul3A_417 = vector.broadcast %get3A_411 : vector<1x128xf32> to vector<64x128xf32>
      %mul3A_418 = arith.mulf %add3A_413, %mul3A_417 : vector<64x128xf32>
      %reduce_sum3A = arith.constant dense<0.000000e+00> : vector<64xf32>
      %reduce_sum3A_419 = vector.multi_reduction <add>, %mul3A_418, %reduce_sum3A [1] : vector<64x128xf32> to vector<64xf32>
      %broadcast_in_dim3A_420 = vector.shape_cast %reduce_sum3A_419 : vector<64xf32> to vector<64x1xf32>
      %swap3A_421 = arith.constant 0 : index
      %swap3A_422 = arith.constant 0 : index
      %swap3A_423 = vector.load %arg34[%swap3A_421, %swap3A_422] : memref<64x3xf32, #tpu.memory_space<vmem>>, vector<64x1xf32>
      tpu.vector_store %arg34[%swap3A_421, %swap3A_422], %broadcast_in_dim3A_420 {strides = array<i32>} : memref<64x3xf32, #tpu.memory_space<vmem>>, vector<64x1xf32>,
      %mul3A_424 = arith.mulf %slice3A_401, %slice3A_337 : vector<64x128xf32>
      %add3A_425 = arith.addf %mul3A_424, %add3A_331 : vector<64x128xf32>
      %swap3A_426 = arith.constant 0 : index
      %swap3A_427 = arith.constant 128 : index
      %swap3A_428 = vector.load %arg33[%swap3A_426, %swap3A_427] : memref<64x384xf32, #tpu.memory_space<vmem>>, vector<64x128xf32>
      tpu.vector_store %arg33[%swap3A_426, %swap3A_427], %add3A_425 {strides = array<i32>} : memref<64x384xf32, #tpu.memory_space<vmem>>, vector<64x128xf32>,
      %mul3A_429 = vector.broadcast %get3A_411 : vector<1x128xf32> to vector<64x128xf32>
      %mul3A_430 = arith.mulf %add3A_425, %mul3A_429 : vector<64x128xf32>
      %reduce_sum3A_431 = arith.constant dense<0.000000e+00> : vector<64xf32>
      %reduce_sum3A_432 = vector.multi_reduction <add>, %mul3A_430, %reduce_sum3A_431 [1] : vector<64x128xf32> to vector<64xf32>
      %broadcast_in_dim3A_433 = vector.shape_cast %reduce_sum3A_432 : vector<64xf32> to vector<64x1xf32>
      %swap3A_434 = arith.constant 0 : index
      %swap3A_435 = arith.constant 1 : index
      %swap3A_436 = vector.load %arg34[%swap3A_434, %swap3A_435] : memref<64x3xf32, #tpu.memory_space<vmem>>, vector<64x1xf32>
      tpu.vector_store %arg34[%swap3A_434, %swap3A_435], %broadcast_in_dim3A_433 {strides = array<i32>} : memref<64x3xf32, #tpu.memory_space<vmem>>, vector<64x1xf32>,
      %mul3A_437 = arith.mulf %slice3A_401, %slice3A_360 : vector<64x128xf32>
      %add3A_438 = arith.addf %mul3A_437, %add3A_354 : vector<64x128xf32>
      %swap3A_439 = arith.constant 0 : index
      %swap3A_440 = arith.constant 256 : index
      %swap3A_441 = vector.load %arg33[%swap3A_439, %swap3A_440] : memref<64x384xf32, #tpu.memory_space<vmem>>, vector<64x128xf32>
      tpu.vector_store %arg33[%swap3A_439, %swap3A_440], %add3A_438 {strides = array<i32>} : memref<64x384xf32, #tpu.memory_space<vmem>>, vector<64x128xf32>,
      %mul3A_442 = vector.broadcast %get3A_411 : vector<1x128xf32> to vector<64x128xf32>
      %mul3A_443 = arith.mulf %add3A_438, %mul3A_442 : vector<64x128xf32>
      %reduce_sum3A_444 = arith.constant dense<0.000000e+00> : vector<64xf32>
      %reduce_sum3A_445 = vector.multi_reduction <add>, %mul3A_443, %reduce_sum3A_444 [1] : vector<64x128xf32> to vector<64xf32>
      %broadcast_in_dim3A_446 = vector.shape_cast %reduce_sum3A_445 : vector<64xf32> to vector<64x1xf32>
      %swap3A_447 = arith.constant 0 : index
      %swap3A_448 = arith.constant 2 : index
      %swap3A_449 = vector.load %arg34[%swap3A_447, %swap3A_448] : memref<64x3xf32, #tpu.memory_space<vmem>>, vector<64x1xf32>
      tpu.vector_store %arg34[%swap3A_447, %swap3A_448], %broadcast_in_dim3A_446 {strides = array<i32>} : memref<64x3xf32, #tpu.memory_space<vmem>>, vector<64x1xf32>,
    } else {
    }
    return
  }
  func.func @transform_0(%arg0: i32) -> (i32, i32) {
    %c0_i32 = arith.constant 0 : i32
    %c0_i32_0 = arith.constant 0 : i32
    return %arg0, %c0_i32 : i32, i32
  }
  func.func @transform_1(%arg0: i32) -> (i32, i32) {
    %c0_i32 = arith.constant 0 : i32
    %c0_i32_0 = arith.constant 0 : i32
    return %arg0, %c0_i32 : i32, i32
  }
  func.func @transform_2(%arg0: i32) -> (i32, i32) {
    %c0_i32 = arith.constant 0 : i32
    %c0_i32_0 = arith.constant 0 : i32
    return %arg0, %c0_i32 : i32, i32
  }
  func.func @transform_3(%arg0: i32) -> (i32, i32) {
    %c0_i32 = arith.constant 0 : i32
    %c0_i32_0 = arith.constant 0 : i32
    return %arg0, %c0_i32 : i32, i32
  }
  func.func @transform_4(%arg0: i32) -> (i32, i32) {
    %c0_i32 = arith.constant 0 : i32
    %c0_i32_0 = arith.constant 0 : i32
    return %arg0, %c0_i32 : i32, i32
  }
  func.func @transform_5(%arg0: i32) -> (i32, i32) {
    %c0_i32 = arith.constant 0 : i32
    %c0_i32_0 = arith.constant 0 : i32
    %c0_i32_1 = arith.constant 0 : i32
    return %c0_i32, %c0_i32_0 : i32, i32
  }
  func.func @transform_6(%arg0: i32) -> (i32, i32) {
    %c0_i32 = arith.constant 0 : i32
    %c0_i32_0 = arith.constant 0 : i32
    %c0_i32_1 = arith.constant 0 : i32
    return %c0_i32, %c0_i32_0 : i32, i32
  }
  func.func @transform_7(%arg0: i32) -> (i32, i32) {
    %c0_i32 = arith.constant 0 : i32
    %c0_i32_0 = arith.constant 0 : i32
    %c0_i32_1 = arith.constant 0 : i32
    return %c0_i32, %c0_i32_0 : i32, i32
  }
  func.func @transform_8(%arg0: i32) -> (i32, i32) {
    %c0_i32 = arith.constant 0 : i32
    %c0_i32_0 = arith.constant 0 : i32
    %c0_i32_1 = arith.constant 0 : i32
    return %c0_i32, %c0_i32_0 : i32, i32
  }
  func.func @transform_9(%arg0: i32) -> (i32, i32) {
    %c0_i32 = arith.constant 0 : i32
    %c0_i32_0 = arith.constant 0 : i32
    %c0_i32_1 = arith.constant 0 : i32
    return %c0_i32, %c0_i32_0 : i32, i32
  }
  func.func @transform_10(%arg0: i32) -> (i32, i32) {
    %c0_i32 = arith.constant 0 : i32
    %c0_i32_0 = arith.constant 0 : i32
    %c0_i32_1 = arith.constant 0 : i32
    return %c0_i32, %c0_i32_0 : i32, i32
  }
  func.func @transform_11(%arg0: i32) -> (i32, i32) {
    %c0_i32 = arith.constant 0 : i32
    %c0_i32_0 = arith.constant 0 : i32
    %c0_i32_1 = arith.constant 0 : i32
    return %c0_i32, %c0_i32_0 : i32, i32
  }
  func.func @transform_12(%arg0: i32) -> (i32, i32) {
    %c0_i32 = arith.constant 0 : i32
    %c0_i32_0 = arith.constant 0 : i32
    %c0_i32_1 = arith.constant 0 : i32
    return %c0_i32, %c0_i32_0 : i32, i32
  }
  func.func @transform_13(%arg0: i32) -> (i32, i32) {
    %c0_i32 = arith.constant 0 : i32
    %c0_i32_0 = arith.constant 0 : i32
    %c0_i32_1 = arith.constant 0 : i32
    return %c0_i32, %c0_i32_0 : i32, i32
  }
  func.func @transform_14(%arg0: i32) -> (i32, i32) {
    %c0_i32 = arith.constant 0 : i32
    %c0_i32_0 = arith.constant 0 : i32
    %c0_i32_1 = arith.constant 0 : i32
    return %c0_i32, %c0_i32_0 : i32, i32
  }
  func.func @transform_15(%arg0: i32) -> (i32, i32) {
    %c0_i32 = arith.constant 0 : i32
    %c0_i32_0 = arith.constant 0 : i32
    %c0_i32_1 = arith.constant 0 : i32
    return %c0_i32, %c0_i32_0 : i32, i32
  }
  func.func @transform_16(%arg0: i32) -> (i32, i32) {
    %c0_i32 = arith.constant 0 : i32
    %c0_i32_0 = arith.constant 0 : i32
    %c0_i32_1 = arith.constant 0 : i32
    return %c0_i32, %c0_i32_0 : i32, i32
  }
  func.func @transform_17(%arg0: i32) -> (i32, i32) {
    %c0_i32 = arith.constant 0 : i32
    %c0_i32_0 = arith.constant 0 : i32
    %c0_i32_1 = arith.constant 0 : i32
    return %c0_i32, %c0_i32_0 : i32, i32
  }
  func.func @transform_18(%arg0: i32) -> (i32, i32) {
    %c0_i32 = arith.constant 0 : i32
    %c0_i32_0 = arith.constant 0 : i32
    %c0_i32_1 = arith.constant 0 : i32
    return %c0_i32, %c0_i32_0 : i32, i32
  }
  func.func @transform_19(%arg0: i32) -> (i32, i32) {
    %c0_i32 = arith.constant 0 : i32
    %c0_i32_0 = arith.constant 0 : i32
    %c0_i32_1 = arith.constant 0 : i32
    return %c0_i32, %c0_i32_0 : i32, i32
  }
  func.func @transform_20(%arg0: i32) -> (i32, i32) {
    %c0_i32 = arith.constant 0 : i32
    %c0_i32_0 = arith.constant 0 : i32
    %c0_i32_1 = arith.constant 0 : i32
    return %c0_i32, %c0_i32_0 : i32, i32
  }
  func.func @transform_21(%arg0: i32) -> (i32, i32) {
    %c0_i32 = arith.constant 0 : i32
    %c0_i32_0 = arith.constant 0 : i32
    %c0_i32_1 = arith.constant 0 : i32
    return %c0_i32, %c0_i32_0 : i32, i32
  }
  func.func @transform_22(%arg0: i32) -> (i32, i32) {
    %c0_i32 = arith.constant 0 : i32
    %c0_i32_0 = arith.constant 0 : i32
    %c0_i32_1 = arith.constant 0 : i32
    return %c0_i32, %c0_i32_0 : i32, i32
  }
  func.func @transform_23(%arg0: i32) -> (i32, i32) {
    %c0_i32 = arith.constant 0 : i32
    %c0_i32_0 = arith.constant 0 : i32
    %c0_i32_1 = arith.constant 0 : i32
    return %c0_i32, %c0_i32_0 : i32, i32
  }
  func.func @transform_24(%arg0: i32) -> (i32, i32) {
    %c0_i32 = arith.constant 0 : i32
    %c0_i32_0 = arith.constant 0 : i32
    %c0_i32_1 = arith.constant 0 : i32
    return %c0_i32, %c0_i32_0 : i32, i32
  }
  func.func @transform_25(%arg0: i32) -> (i32, i32) {
    %c0_i32 = arith.constant 0 : i32
    %c0_i32_0 = arith.constant 0 : i32
    %c0_i32_1 = arith.constant 0 : i32
    return %c0_i32, %c0_i32_0 : i32, i32
  }
  func.func @transform_26(%arg0: i32) -> (i32, i32) {
    %c0_i32 = arith.constant 0 : i32
    %c0_i32_0 = arith.constant 0 : i32
    %c0_i32_1 = arith.constant 0 : i32
    return %c0_i32, %c0_i32_0 : i32, i32
  }
  func.func @transform_27(%arg0: i32) -> (i32, i32) {
    %c0_i32 = arith.constant 0 : i32
    %c0_i32_0 = arith.constant 0 : i32
    %c0_i32_1 = arith.constant 0 : i32
    return %c0_i32, %c0_i32_0 : i32, i32
  }
  func.func @transform_28(%arg0: i32) -> (i32, i32) {
    %c0_i32 = arith.constant 0 : i32
    %c0_i32_0 = arith.constant 0 : i32
    %c0_i32_1 = arith.constant 0 : i32
    return %c0_i32, %c0_i32_0 : i32, i32
  }
  func.func @transform_29(%arg0: i32) -> (i32, i32) {
    %c0_i32 = arith.constant 0 : i32
    %c0_i32_0 = arith.constant 0 : i32
    return %arg0, %c0_i32 : i32, i32
  }
  func.func @transform_30(%arg0: i32) -> (i32, i32) {
    %c0_i32 = arith.constant 0 : i32
    %c0_i32_0 = arith.constant 0 : i32
    return %arg0, %c0_i32 : i32, i32
  }
  func.func @transform_31(%arg0: i32) -> (i32, i32) {
    %c0_i32 = arith.constant 0 : i32
    %c0_i32_0 = arith.constant 0 : i32
    %c0_i32_1 = arith.constant 0 : i32
    return %c0_i32, %c0_i32_0 : i32, i32
  }
  func.func @transform_32(%arg0: i32) -> (i32, i32) {
    %c0_i32 = arith.constant 0 : i32
    %c0_i32_0 = arith.constant 0 : i32
    %c0_i32_1 = arith.constant 0 : i32
    return %c0_i32, %c0_i32_0 : i32, i32
  }
  func.func @transform_33(%arg0: i32) -> (i32, i32) {
    %c0_i32 = arith.constant 0 : i32
    %c0_i32_0 = arith.constant 0 : i32
    %c0_i32_1 = arith.constant 0 : i32
    return %c0_i32, %c0_i32_0 : i32, i32
  }
}

</mosaic_0001>

<sc_bundles>
// kernel: sparse-core-data-format-call.cloned.1.call-start
scs
called_computation_lowered:
.L_overlay_start_0:
0x0: {  	s2 =	sld [smem:$0x3FD9]  }
0x1: {  	s3 =	sld [smem:$0x3FFE];
	_ =	sdelay $0x1  }
0x2: {  	s1 =	srdreg.scid  }
0x3: {  	s0 =	sand.u32 $0x1, s1  }
0x4: {  	s15 =	sshll.u32 s0, $0xA;
	s2 =	sadd.s32 s3, s2  }
0x5: {  	s2 =	sadd.s32 s2, s15  }
0x6: {  	[smem:$0x3FAB] =	sst s2  }
0x7: {  	_ = 	snop  }
0x8: {  	s2 =	sld [smem:$0x3FD0];
	_ =	sdelay $0x2  }
0x9: {  	s16 =	simm.s32 $0xA;
	s4 =	simm.s32 $0x10  }
0xa: {  	[smem:s4], [sflag:s16] =	dma.local [hbm:s2], $0x1  }
0xb: {  	_ =	swait.eq [sflag:s16], $0x1  }
0xc: {  	[sflag:s16] =	ssyncset.done $0x0  }
0xd: {  	[sflag:s16] =	ssyncadd.s32 $0xFFFFFFFF  }
0xe: {  	s17 =	sld [smem:$0x11];
	(tm) =	ssettm $0x1  }
0xf: {  	s18 =	sld [smem:$0x3FFB];
	_ =	sdelay $0x3  }
0x10: {  	_ =	strace s18  }
0x11: {  	s3 =	sld [smem:$0x3FFC];
	_ =	sdelay $0x3  }
0x12: {  	_ =	strace s3  }
0x13: {  	s3 =	sld [smem:$0x3FFD];
	_ =	sdelay $0x3  }
0x14: {  	_ =	strace s3  }
0x15: {  	_ =	strace $0x8FFFFFFF  }
0x16: {  	s19 =	sld [smem:$0x3FDB];
	_ =	sdelay $0x1  }
0x17: {  	s20 =	simm.s32 $_scs_section_size  }
0x18: {  	s5 =	simm.s32 $_size__tile_overlayer_lowered;
	s6 =	simm.s32 $_tile_overlayer_lowered  }
0x19: {  	s23 =	simm.s32 $0x1BFF;
	s22 =	sshll.u32 s6, $0x1;
	s3 =	sadd.s32 s20, s19  }
0x1a: {  	s7 =	simm.s32 $0x0;
	s21 =	sshll.u32 s5, $0x1;
	s5 =	sadd.s32 s22, s3  }
0x1b: {  	[timem:s7], [sflag:s23] =	dma.local [hbm:s5], s21  }
0x1c: {  	_ =	swait.ge [sflag:s23], s21  }
0x1d: {  	s4 =	ssub.s32 $0x0, s21;
	[sflag:s23] =	ssyncset.done $0x0  }
0x1e: {  	[sflag:s23] =	ssyncadd.s32 s4;
	_ =	sdelay $0x1  }
0x1f: {  	s24 =	simm.s32 $0x1B8B  }
0x20: {  	_ =	swait.ge [sflag:s24], $0x1  }
0x21: {  	[sflag:s24] =	ssyncset.done $0x0  }
0x22: {  	s26 =	simm.s32 $0x1B8E;
	s25 =	sld [smem:$0x3FFE];
	[sflag:s24] =	ssyncadd.s32 $0xFFFFFFFF  }
0x23: {  	s27 =	simm.s32 $execute0_lowered;
	[smem:$0x3FD2] =	sst s26  }
0x24: {  	s5 =	sshll.u32 s27, $0x1;
	_ =	strace $0x80000046;
	[dreg:$0x1] =	wrdreg $0xFFFFFFFF  }
0x25: {  	s28 =	simm.s32 $_size_execute0_lowered;
	s3 =	sadd.s32 s3, s5;
	[dreg:$0x0] =	wrdreg $0x0  }
0x26: {  	s5 =	sshll.u32 s28, $0x1;
	[dreg:$0x2] =	wrdreg s3  }
0x27: {  	[dreg:$0x3] =	wrdreg s5  }
0x28: {  	[dreg:$0x4] =	wrdreg $0xC0  }
0x29: {  	_ =	task [dreg:s7], $0x5FFFF  }
0x2a: {  	[dreg:$0x1] =	wrdreg $0xFFFFFFFF  }
0x2b: {  	[dreg:$0x0] =	wrdreg $0x60  }
0x2c: {  	[dreg:$0x2] =	wrdreg s25  }
0x2d: {  	[dreg:$0x3] =	wrdreg s17  }
0x2e: {  	[dreg:$0x4] =	wrdreg $0x9  }
0x2f: {  	_ =	task.clear_ibuf [dreg:s7], $0x5FFFF;
	_ =	strace $0x90000046  }
0x30: {  	s29 =	simm.s32 $0x9;
	_ =	strace $0x80000048  }
0x31: {  	_ =	swait.ge [sflag:s29], $0x1  }
0x32: {  	[sflag:s29] =	ssyncadd.s32 $0xFFFFFFFF  }
0x33: {  	_ =	strace $0x90000048  }
0x34: {  	_ =	sfence  }
0x35: {  	s30 =	sld [smem:$0x0];
	_ =	sdelay $0x2  }
0x36: {  	s31 =	sshll.u32 s1, $0xD;
	s1 =	sshrl.u32 s1, $0x2  }
0x37: {  	s3 =	sand.u32 $0x4000, s31;
	s1 =	sadd.s32 s1, s30  }
0x38: {  	s0 =	sor.u32 s3, s0;
	s1 =	sshll.u32 s1, $0x11  }
0x39: {  	s0 =	sor.u32 s1, s0  }
0x3a: {  	s0 =	sadd.s32 $0x8F2B, s0  }
0x3b: {  	[sflag:s0] =	ssyncadd.remote.s32 $0x1  }
0x3c: {  	_ =	sfence.sel $0xFFFF  }
0x3d: {  	[dreg:$0x0] =	wrdreg $0xFFFFFFFF;
	(pc) =	sbr.abs _section_cstart, $3  }
0x3e: {  	[dreg:$0x1] =	wrdreg $0xFFFFFFFF  }
0x3f: {  	_ =	task.clear_ibuf [dreg:s7], $0x2FFFF;
	_ =	strace $0x9FFFFFFF  }
0x40: {  	(tm) =	ssettm $0x7FFFFFFF  }
0x41: {  	_ =	shalt  }
tec
execute0_lowered:
.L_overlay_start_1:
0x0: {  	(tag) =	ssettag $0x1  }
0x1: {  	s0 =	srdreg.scid;
	s5 =	rddreg [dreg:$0x0]  }
0x2: {  	s2 =	rddreg [dreg:$0x1];
	s4 =	simm.s32 $0x1;
	s7 =	simm.s32 $0x2  }
0x3: {  	s16 =	simm.s32 $0x0;
	p0 =	por $0x0, $0x0;
	s1 =	sshll.u32 s0, $0x4  }
0x4: {  	s15 =	simm.s32 $0x0;
	s0 =	stileid.u32;
	s1 =	sand.u32 $0x10, s1  }
0x5: {  	s17 =	simm.s32 $0x0;
	s9 =	simm.s32 $0x0;
	s1 =	sor.u32 s0, s1  }
0x6: {  	s10 =	simm.s32 $0x0;
	s12 =	simm.s32 $0x0;
	s3 =	sshll.u32 s1, $0x7  }
.Ltmp0:
0x7: {  	s13 =	simm.s32 $0x0;
	s6 =	ssub.s32 $0x18680, s3;
	(pc) =	sbr.rel .LBB1_1-.Ltmp0, $4  }
0x8: {  	s1 =	rddreg [dreg:$0x2];
	_ =	strace $0x80000047;
	s6 =	sshrl.u32 s6, $0xC  }
0x9: {  	s14 =	simm.s32 $0x0;
	[sflag:s4] =	ssyncpa.u1 $0x0;
	s8 =	smul.u32 $0x3, s6  }
0xa: {  	s5 =	sadd.s32 $0x92C600, s5;
	s11 =	smov.u32 s3;
	[sflag:s7] =	ssyncpa.u1 $0x0  }
0xb: {  	s6 =	sadd.s32 $0x3, s8;
	s7 =	sadd.s32 $0x4, s8;
	s8 =	simm.s32 $0x0  }
.LBB1_5:
0xc: {  	p1 =	slt.u32 s14, $0x2  }
0xd: {  	p2 =	sgt.s32 @!p1 s17, $0x2  }
0xe: {  	s18 =	smov.u32 s17;
	s19 =	sshra.s32 @!p1 s17, $0x1F;
	p2 =	por !p2, p1  }
0xf: {  	s17 =	sand.u32 @!p1 s19, s17;
	s18 =	simm.s32 @p2 $0x2  }
0x10: {  	p2 =	sgt.s32 @!p1 s16, $0x18620;
	s17 =	ssub.s32 @!p1 s18, s17  }
0x11: {  	s19 =	sshra.s32 @!p1 s16, $0x1F;
	p2 =	por !p2, p1;
	s18 =	sadd.s32 @!p1 $0xFFFFFFFE, s17  }
0x12: {  	s17 =	ssub.s32 @!p1 $0x3, s17;
	p3 =	sgt.s32 @!p1 s18, $0x0;
	s18 =	smov.u32 s16  }
0x13: {  	s16 =	sand.u32 @!p1 s19, s16;
	s19 =	ssub.s32 @!p1 $0x0, s15;
	s18 =	simm.s32 @p2 $0x18620  }
0x14: {  	p2 =	por !p3, p1;
	s15 =	smin.u32 @!p1 s15, s19;
	s19 =	smov.u32 s12  }
0x15: {  	s17 =	simm.s32 @!p2 $0x0;
	s16 =	ssub.s32 @!p1 s18, s16;
	p2 =	sgt.s32 @!p1 s15, $0x7F  }
0x16: {  	s15 =	ssub.s32 @!p1 $0x80, s15;
	s18 =	sadd.s32 @!p1 $0xFFFE79E0, s16;
	p2 =	por !p2, p1  }
0x17: {  	s16 =	ssub.s32 @!p1 $0x186A0, s16;
	s15 =	simm.s32 @!p2 $0x0;
	p2 =	sgt.s32 @!p1 s18, $0x7F  }
0x18: {  	s18 =	sadd.s32 $0x1000, s11;
	p2 =	por !p2, p1;
	s15 =	smul.u32 @!p1 s17, s15  }
0x19: {  	s17 =	sadd.s32 $0x80, s12;
	s16 =	simm.s32 @!p2 $0x0;
	p2 =	sgt.s32 s18, $0x1869F  }
0x1a: {  	s15 =	smul.u32 @!p1 s16, s15;
	s19 =	smov.u32 @p2 s17  }
0x1b: {  	s18 =	smov.u32 @p2 s3;
	s16 =	simm.s32 $0x1;
	p2 =	sgt.s32 s19, $0x7F  }
0x1c: {  	s16 =	simm.s32 @!p2 $0x0  }
0x1d: {  	p0 =	por !p0, !p0;
	s22 =	sadd.s32 s16, s13  }
0x1e: {  	s20 =	simm.s32 @!p1 $0x2;
	s19 =	simm.s32 @p2 $0x0;
	p2 =	sgt.s32 s22, $0x2  }
0x1f: {  	s17 =	smov.u32 s10;
	s22 =	simm.s32 @p2 $0x0;
	p2 =	sne.s32 s14, s7  }
.Ltmp1:
0x20: {  	s10 =	smov.u32 s13;
	s15 =	sand.u32 @!p1 $0x3FFFFFFF, s15;
	(pc) =	sbr.rel @!p2 .LBB1_6-.Ltmp1, $4  }
0x21: {  	_ =	swait.ge @!p1 [sflag:s20], s15;
	s21 =	ssub.s32 @!p1 $0x0, s15;
	s16 =	smov.u32 s8  }
0x22: {  	s15 =	smov.u32 s9;
	s8 =	smov.u32 s11;
	s9 =	smov.u32 s12  }
0x23: {  	s11 =	smov.u32 s18;
	s12 =	smov.u32 s19;
	[sflag:s20] =	ssyncset.done @!p1 $0x0  }
0x24: {  	s14 =	sadd.s32 $0x1, s14;
	[sflag:s20] =	ssyncadd.s32 @!p1 s21;
	s13 =	smov.u32 s22  }
.LBB1_1:
0x25: {  	p1 =	sge.u32 s14, s6  }
0x26: {  	s18 =	sshrl.u32 @!p1 s12, $0x3  }
0x27: {  	s19 =	sshll.u32 @!p1 s11, $0x3;
	s18 =	smul.u32 @!p1 $0xC3800, s18  }
0x28: {  	s20 =	sshll.u32 @!p1 s12, $0x7;
	s19 =	sand.u32 @!p1 $0xFFFFFC00, s19  }
0x29: {  	s18 =	sadd.s32 @!p1 s18, s19;
	s19 =	sand.u32 @!p1 $0x380, s20  }
0x2a: {  	s20 =	sand.u32 @!p1 $0x7F, s11;
	s18 =	sor.u32 @!p1 s19, s18  }
0x2b: {  	s19 =	sor.u32 @!p1 s20, s18  }
0x2c: {  	s20 =	smulhi.u32 @!p1 $0xA79C7B17, s19  }
0x2d: {  	s18 =	smulhi.u32 @!p1 $0xA79C7B17, s18  }
0x2e: {  	s20 =	sshrl.u32 @!p1 s20, $0x10  }
0x2f: {  	s18 =	sshrl.u32 @!p1 s18, $0x10;
	s20 =	smul.u32 @!p1 $0x18700, s20  }
0x30: {  	s21 =	sxor.u32 @!p1 $0xFFFFFFFF, s14;
	s22 =	smul.u32 @!p1 $0x187000, s13;
	s18 =	sand.u32 @!p1 $0x7F, s18  }
0x31: {  	s21 =	sshll.u32 @!p1 s21, $0xE;
	s18 =	smul.u32 @!p1 $0x30E0, s18;
	s19 =	ssub.s32 @!p1 s19, s20  }
0x32: {  	s20 =	sand.u32 @!p1 $0x4000, s21;
	s21 =	sadd.s32 @!p1 s5, s22;
	s22 =	sand.u32 @!p1 $0x7, s19  }
0x33: {  	s19 =	sshrl.u32 @!p1 s19, $0x3;
	s18 =	sadd.s32 @!p1 s18, s21;
	s21 =	sshll.u32 @!p1 s22, $0x12  }
0x34: {  	s18 =	sadd.s32 @!p1 s19, s18;
	s19 =	sor.u32 @!p1 $0x400, s21;
	s21 =	simm.s32 @!p1 $0xC3800  }
0x35: {  	[tilespmem:s20], [sflag:$0x1] =	stream.strided.gather @!p1 [hbm4b:s18+s19], $0x4000, s21, s19, $0x38;
	[tilespmem:$0x10100] =	vst v63  }
0x36: {  	p1 =	seq.s32 s14, $0x0  }
0x37: {  	p2 =	sge.u32 @!p1 s14, s7  }
0x38: {  	p1 =	por p1, p2  }
.Ltmp2:
0x39: {  	_ = 	snop;
	(pc) =	sbr.rel @p1 .LBB1_5-.Ltmp2, $1  }
0x3a: {  	_ =	sdelay $0x3  }
0x3b: {  	s18 =	simm.s32 $0x1  }
0x3c: {  	_ =	swait.ge [sflag:s4], $0x4000;
	s18 =	simm.s32 @!p0 $0x0  }
0x3d: {  	[sflag:s4] =	ssyncset.done $0x0;
	s19 =	sshll.u32 s18, $0xE  }
0x3e: {  	[sflag:s4] =	ssyncadd.s32 $0xFFFFC000;
	s19 =	sor.u32 $0x40, s19  }
0x3f: {  	s18 =	smul.u32 $0x10200, s18;
	v0 =	vld [tilespmem:s19+$0x30]  }
0x40: {  	v1 =	vld [tilespmem:s19+$0xFFFFFFD0]  }
0x41: {  	s18 =	sshrl.u32 s18, $0x2;
	v5 =	vld [tilespmem:s19+$0xFFFFFFE0]  }
0x42: {  	v6 =	vld [tilespmem:s19+$0xFFFFFFF0];
	s21 =	sor.u32 $0x8000, s18  }
0x43: {  	s31 =	sand.u32 $0x1, s14;
	v4 =	vld [tilespmem:s19+$0x0];
	s20 =	sadd.s32 $0x0, s21  }
0x44: {  	v3 =	vld [tilespmem:s19+$0x10];
	s18 =	smul.u32 $0x10200, s31;
	[tilespmem:s20+$0x3870 ss:$0x81] =	vst.msk $0xffff, v0  }
0x45: {  	v2 =	vld [tilespmem:s19+$0x20];
	[tilespmem:s20+$0x810 ss:$0x81] =	vst.msk $0xffff, v1  }
0x46: {  	s18 =	sshrl.u32 s18, $0x2;
	v0 =	vld [tilespmem:s19+$0xFFFFFFC0];
	[tilespmem:s20+$0x1020 ss:$0x81] =	vst.msk $0xffff, v5;
	s19 =	sadd.s32 $0x80, s19  }
0x47: {  	s22 =	simm.s32 $0x4;
	s23 =	simm.s32 $0x8;
	s18 =	sor.u32 $0x8000, s18;
	[tilespmem:s20+$0x1830 ss:$0x81] =	vst.msk $0xffff, v6;
	v1 =	vld [tilespmem:s19+$0x30]  }
.LBB1_3:
0x48: {  	p1 =	sne.s32 s23, $0x1FC;
	v5 =	vld [tilespmem:s19+$0xFFFFFFD0];
	[tilespmem:s20+$0x2040 ss:$0x81] =	vst.msk $0xffff, v4  }
0x49: {  	v6 =	vld [tilespmem:s19+$0xFFFFFFE0];
	[tilespmem:s20+$0x2850 ss:$0x81] =	vst.msk $0xffff, v3  }
0x4a: {  	s24 =	sshra.s32 s22, $0x2;
	s22 =	smov.u32 s23;
	v7 =	vld [tilespmem:s19+$0xFFFFFFF0];
	[tilespmem:s20+$0x3060 ss:$0x81] =	vst.msk $0xffff, v2  }
.Ltmp3:
0x4b: {  	v4 =	vld [tilespmem:s19+$0x0];
	[tilespmem:s20+$0x0 ss:$0x81] =	vst.msk $0xffff, v0;
	s20 =	sadd.s32 s24, s21;
	(pc) =	sbr.rel @p1 .LBB1_3-.Ltmp3, $4  }
0x4c: {  	v3 =	vld [tilespmem:s19+$0x10];
	[tilespmem:s20+$0x3870 ss:$0x81] =	vst.msk $0xffff, v1  }
0x4d: {  	[tilespmem:s20+$0x810 ss:$0x81] =	vst.msk $0xffff, v5;
	v2 =	vld [tilespmem:s19+$0x20]  }
0x4e: {  	v0 =	vld [tilespmem:s19+$0xFFFFFFC0];
	[tilespmem:s20+$0x1020 ss:$0x81] =	vst.msk $0xffff, v6;
	s19 =	sadd.s32 $0x80, s19  }
0x4f: {  	s23 =	sadd.s32 $0x4, s23;
	v1 =	vld [tilespmem:s19+$0x30];
	[tilespmem:s20+$0x1830 ss:$0x81] =	vst.msk $0xffff, v7  }
0x50: {  	s23 =	sshll.u32 s8, $0x7;
	s24 =	sshll.u32 s9, $0x3  }
0x51: {  	p1 =	sgt.s32 s10, $0x2;
	s26 =	sshra.s32 s10, $0x1F;
	s22 =	sshra.s32 s22, $0x2  }
0x52: {  	s29 =	ssub.s32 $0x0, s9;
	s25 =	sand.u32 $0xFFFFFC00, s23;
	s24 =	sand.u32 $0xFFFFFC00, s24  }
0x53: {  	[tilespmem:s20+$0x2040 ss:$0x81] =	vst.msk $0xffff, v4;
	s30 =	sshra.s32 s8, $0x1F;
	s23 =	sand.u32 $0x380, s23;
	s24 =	sadd.s32 s24, s25  }
0x54: {  	s21 =	sadd.s32 s22, s21;
	[tilespmem:s20+$0x2850 ss:$0x81] =	vst.msk $0xffff, v3;
	s23 =	sor.u32 s23, s24;
	s24 =	smov.u32 s10  }
0x55: {  	s25 =	sand.u32 s26, s10;
	[tilespmem:s20+$0x3060 ss:$0x81] =	vst.msk $0xffff, v2;
	s23 =	sshrl.u32 s23, $0x7;
	s24 =	simm.s32 @!p1 $0x2  }
0x56: {  	v5 =	vld [tilespmem:s19+$0xFFFFFFD0];
	[tilespmem:s20+$0x0 ss:$0x81] =	vst.msk $0xffff, v0;
	s20 =	sand.u32 s30, s8;
	s26 =	smulhi.u32 $0x14F8B59, s23;
	s24 =	ssub.s32 s24, s25  }
0x57: {  	v58 =	vld [tilespmem:s19+$0xFFFFFFE0];
	s27 =	sadd.s32 $0xFFFFFFFE, s24;
	s22 =	ssub.s32 $0x3, s24;
	s24 =	smov.u32 s8  }
0x58: {  	v59 =	vld [tilespmem:s19+$0xFFFFFFF0];
	s28 =	sshrl.u32 s26, $0x9;
	p1 =	sgt.s32 s27, $0x0;
	s26 =	smin.u32 s9, s29  }
0x59: {  	v60 =	vld [tilespmem:s19+$0x0];
	s27 =	smul.u32 $0x186A00, s10;
	s22 =	simm.s32 @p1 $0x0;
	p1 =	sgt.s32 s8, $0x18620  }
0x5a: {  	v61 =	vld [tilespmem:s19+$0x10];
	[tilespmem:s21+$0x3870 ss:$0x81] =	vst.msk $0xffff, v1;
	s24 =	simm.s32 @!p1 $0x18620;
	p1 =	sgt.s32 s26, $0x7F;
	s26 =	ssub.s32 $0x80, s26  }
0x5b: {  	v62 =	vld [tilespmem:s19+$0x20];
	[tilespmem:s21+$0x810 ss:$0x81] =	vst.msk $0xffff, v5;
	s31 =	smul.u32 $0x186A0, s28;
	s20 =	ssub.s32 s24, s20;
	s26 =	simm.s32 @p1 $0x0  }
0x5c: {  	v63 =	vld [tilespmem:s19+$0xFFFFFFC0];
	[tilespmem:s21+$0x1020 ss:$0x81] =	vst.msk $0xffff, v58;
	s25 =	smul.u32 s22, s26;
	s26 =	sadd.s32 $0xFFFE79E0, s20  }
0x5d: {  	[tilespmem:s21+$0x1830 ss:$0x81] =	vst.msk $0xffff, v59;
	s28 =	sshrl.u32 s9, $0x3;
	s20 =	ssub.s32 $0x186A0, s20;
	p1 =	sgt.s32 s26, $0x7F  }
.Ltmp4:
0x5e: {  	[tilespmem:s21+$0x2040 ss:$0x81] =	vst.msk $0xffff, v60;
	s29 =	sand.u32 $0xF, s28;
	s20 =	simm.s32 @p1 $0x0;
	(pc) =	sbr.rel .LBB1_5-.Ltmp4, $4  }
0x5f: {  	[tilespmem:s21+$0x2850 ss:$0x81] =	vst.msk $0xffff, v61;
	s23 =	ssub.s32 s23, s31;
	s22 =	sadd.s32 s2, s27;
	s19 =	smul.u32 s20, s25  }
0x60: {  	[tilespmem:s21+$0x3060 ss:$0x81] =	vst.msk $0xffff, v62;
	s30 =	sshll.u32 s23, $0x4;
	s20 =	sadd.s32 s29, s22  }
0x61: {  	[tilespmem:s21+$0x0 ss:$0x81] =	vst.msk $0xffff, v63;
	s31 =	sand.u32 $0x7, s9;
	s20 =	sadd.s32 s30, s20;
	s19 =	sand.u32 $0x3FFFFFFF, s19  }
0x62: {  	[hbm4b:s20+s31] =	stream.linear.scatter [tilespmem:s18], [sflag:$0x2], s19, $0x20;
	[tilespmem:$0x10100] =	vst v63  }
.LBB1_6:
0x63: {  	_ =	sfence.sel $0x180000  }
0x64: {  	s2 =	simm.s32 $0x1;
	[bflag:$0x0] =	sbarrier.arrive $0xFFFF  }
0x65: {  	s31 =	simm.s32 $0x2;
	[sflag:s2] =	ssyncpa.u1 $0x1  }
0x66: {  	[sflag:s31] =	ssyncpa.u1 $0x1  }
0x67: {  	p0 =	sne.s32 s0, $0x0;
	_ =	strace $0x90000047  }
0x68: {  	s0 =	sadd.s32 @!p0 $0x100000, s1;
	[bflag:$0x2] =	sbarrier.arrive $0xFFFF  }
0x69: {  	[sflag:s0] =	ssyncadd.tile.s32 @!p0 $0x1;
	_ =	shalt  }
.Lfunc_end1:
_tile_overlayer_lowered:
.L_overlay_start_2:
0x6a: {  	(tag) =	ssettag $0x2  }
0x6b: {  	s0 =	rddreg [dreg:$0x0];
	s2 =	stileid.u32  }
0x6c: {  	s1 =	rddreg [dreg:$0x1];
	p0 =	sne.s32 s2, $0x0  }
0x6d: {  	s3 =	rddreg [dreg:$0x2];
	[bflag:$0x3] =	sbarrier.arrive $0xFFFF;
	s2 =	simm.s32 @!p0 $0x1C01  }
0x6e: {  	[timem:s3], [sflag:s2] =	dma.local @!p0 [hbm:s0], s1  }
0x6f: {  	s0 =	simm.s32 @!p0 $0x1  }
0x70: {  	_ =	swait.ge @!p0 [sflag:s0], s1  }
0x71: {  	s1 =	ssub.s32 @!p0 $0x0, s1;
	[sflag:s0] =	ssyncset.done @!p0 $0x0  }
0x72: {  	[sflag:s0] =	ssyncadd.s32 @!p0 s1  }
0x73: {  	[bflag:$0x3] =	sbarrier.arrive $0xFFFF  }
0x74: {  	_ =	shalt  }

</sc_bundles>
